<compile_context>
chip_gen: v7x
topology: tpu7x:2x2x1
jax: 0.10.2.dev20260603
libtpu: 0.0.44.dev20260713+nightly
codegen_flags: <defaults>
</compile_context>

<pallas_src>
import functools

import jax
import jax.numpy as jnp
from jax import lax
from jax.experimental import pallas as pl
from jax.experimental.pallas import tpu as pltpu
from jax.experimental.pallas import tpu_sc as plsc

MAXLEN = 200
EMBED = 64
BATCH = 4096
VOCAB = 100000

_info = plsc.get_sparse_core_info()
NC = _info.num_cores
NS = _info.num_subcores
NW = NC * NS

BCH = 512
NBC = BATCH // BCH
ITEMS = MAXLEN * NBC
IPW = ITEMS // NW
NBUF = 3
ROUNDS = IPW // NBUF
REM = IPW - ROUNDS * NBUF


def _gather_body(xt_hbm, tok_hbm, mid_hbm,
                 i0, i1, i2, r0, r1, r2,
                 g0, g1, g2, w0, w1, w2, s0, s1, s2):
    idx = (i0, i1, i2)
    rows = (r0, r1, r2)
    gsem = (g0, g1, g2)
    wsem = (w0, w1, w2)
    isem = (s0, s1, s2)

    wid = lax.axis_index("s") * NC + lax.axis_index("c")
    ibase = wid * IPW

    def fire_idx(p, it):
        m = it // NBC
        c = it % NBC
        pltpu.async_copy(xt_hbm.at[m, pl.ds(c * BCH, BCH)], idx[p], isem[p])

    def fire_gather(p, it):
        del it
        pltpu.make_async_copy(xt_hbm.at[0, pl.ds(0, BCH)], idx[p],
                              isem[p]).wait()
        pltpu.async_copy(tok_hbm.at[idx[p]], rows[p], gsem[p])

    def fire_wb(p, it):
        pltpu.make_async_copy(tok_hbm.at[pl.ds(0, BCH)], rows[p],
                              gsem[p]).wait()
        m = it // NBC
        c = it % NBC
        base = m * BATCH + c * BCH
        pltpu.async_copy(rows[p], mid_hbm.at[pl.ds(base, BCH)], wsem[p])

    def drain_wb(p):
        pltpu.make_async_copy(rows[p], mid_hbm.at[pl.ds(0, BCH)],
                              wsem[p]).wait()

    fire_idx(0, ibase)
    fire_idx(1, ibase + 1)
    fire_gather(0, ibase)

    def round_body(rnd, _):
        for p in range(NBUF):
            jj = rnd * NBUF + p
            it = ibase + jj
            q = (p + 1) % NBUF
            s = (p + 2) % NBUF

            def _prep(s=s, it=it, jj=jj):
                pl.when(jj >= 1)(lambda: drain_wb(s))
                fire_idx(s, it + 2)

            def _next(q=q, it=it):
                fire_gather(q, it + 1)

            pl.when(jj + 2 < IPW)(_prep)
            pl.when(jj + 1 < IPW)(_next)
            fire_wb(p, it)
        return ()

    lax.fori_loop(0, ROUNDS, round_body, ())
    for j in range(REM):
        jj = ROUNDS * NBUF + j
        p = jj % NBUF
        q = (p + 1) % NBUF
        if j + 1 < REM:
            fire_gather(q, ibase + jj + 1)
        fire_wb(p, ibase + jj)

    for p in range(NBUF):
        drain_wb(p)


def _addpos_body(mid_ref, pos_ref, eye_ref, out_ref):
    m = pl.program_id(0)
    p = pos_ref[m]
    eye = eye_ref[...]
    dn = (((0,), (0,)), ((), ()))
    for c in range(NBC):
        h = BCH // 2
        g = mid_ref[pl.ds(c * h, h), :]
        g_hi = g.astype(jnp.bfloat16)
        g_lo = (g - g_hi.astype(jnp.float32)).astype(jnp.bfloat16)
        gt = (jax.lax.dot_general(g_hi, eye, dn,
                                  preferred_element_type=jnp.float32)
              + jax.lax.dot_general(g_lo, eye, dn,
                                    preferred_element_type=jnp.float32))
        ga = gt[:EMBED] + p[:, None]
        gb = gt[EMBED:] + p[:, None]
        out_ref[0, :, pl.ds(c * BCH, BCH)] = jnp.concatenate([ga, gb],
                                                             axis=1)


def kernel(x, token_table, pos_table):
    xt = jnp.transpose(x.astype(jnp.int32))
    xt = (xt.reshape(MAXLEN, NBC, 2, BCH // 2)
            .transpose(0, 1, 3, 2)
            .reshape(MAXLEN, BATCH))

    mesh = plsc.VectorSubcoreMesh(core_axis_name="c", subcore_axis_name="s")
    gather = functools.partial(
        pl.kernel,
        mesh=mesh,
        compiler_params=pltpu.CompilerParams(use_tc_tiling_on_sc=False),
        out_type=jax.ShapeDtypeStruct((MAXLEN * BATCH, EMBED), jnp.float32),
        scratch_types=[pltpu.VMEM((BCH,), jnp.int32) for _ in range(NBUF)]
        + [pltpu.VMEM((BCH, EMBED), jnp.float32) for _ in range(NBUF)]
        + [pltpu.SemaphoreType.DMA for _ in range(3 * NBUF)],
    )(_gather_body)
    mid = gather(xt, token_table)
    mid128 = jnp.reshape(mid, (MAXLEN * BATCH // 2, 2 * EMBED))

    out_t = pl.pallas_call(
        _addpos_body,
        grid=(MAXLEN,),
        in_specs=[
            pl.BlockSpec((BATCH // 2, 2 * EMBED), lambda m: (m, 0)),
            pl.BlockSpec((MAXLEN, EMBED), lambda m: (0, 0)),
            pl.BlockSpec((BCH // 2, BCH // 2), lambda m: (0, 0)),
        ],
        out_specs=pl.BlockSpec((1, EMBED, BATCH), lambda m: (m, 0, 0)),
        out_shape=jax.ShapeDtypeStruct((MAXLEN, EMBED, BATCH), jnp.float32),
    )(mid128, pos_table, jnp.eye(BCH // 2, dtype=jnp.bfloat16))

    return jnp.transpose(out_t, (2, 0, 1))

# --- scband reference (transcript-rebuilt; emitter-appended) ---
"""Pipeline reference for scband-token-and-position-embedding-59124519797026 (READ-ONLY COPY).

The authoritative reference and input builder live on the scoring server;
editing this copy changes nothing except your own understanding.
"""

import jax, jax.numpy as jnp
import numpy as np

MAXLEN = 200
VOCAB_SIZE = 100000
EMBED_DIM = 64
BATCH = 4096

def setup_inputs(seed: int = 0) -> dict:
    key = jax.random.key(seed)
    k1, k2, k3 = jax.random.split(key, 3)
    x = jax.random.randint(k1, (BATCH, MAXLEN), 0, VOCAB_SIZE, dtype=jnp.int64 if jax.config.jax_enable_x64 else jnp.int32)
    token_table = jax.random.normal(k2, (VOCAB_SIZE, EMBED_DIM), dtype=jnp.float32) * 0.05
    pos_table = jax.random.normal(k3, (MAXLEN, EMBED_DIM), dtype=jnp.float32) * 0.05
    return {"x": x, "token_table": token_table, "pos_table": pos_table}

def reference(x, token_table, pos_table):
    # maxlen = shape(x)[-1]; positions = range(0, maxlen)
    maxlen = x.shape[-1]
    positions = jnp.arange(0, maxlen, 1)
    pos = jnp.take(pos_table, positions, axis=0)          # [maxlen, embed_dim]
    tok = jnp.take(token_table, x, axis=0)                # [B, maxlen, embed_dim]
    return tok + pos[None, :, :]

if __name__ == "__main__":
    import jax
    _d = setup_inputs()
    print(jax.jit(kernel)(*tuple(_d.values())))

</pallas_src>

<mosaic_0001>
#map = affine_map<(d0, d1) -> (0, 0)>
module attributes {stable_mosaic.version = 14 : i64} {
  func.func @_gather_body(%arg0: i32, %arg1: i32, %arg2: memref<200x4096xi32, #tpu.memory_space<hbm>>, %arg3: memref<100000x64xf32, #tpu.memory_space<hbm>>, %arg4: memref<819200x64xf32, #tpu.memory_space<hbm>>, %arg5: memref<512xi32, #tpu.memory_space<vmem>>, %arg6: memref<512xi32, #tpu.memory_space<vmem>>, %arg7: memref<512xi32, #tpu.memory_space<vmem>>, %arg8: memref<512x64xf32, #tpu.memory_space<vmem>>, %arg9: memref<512x64xf32, #tpu.memory_space<vmem>>, %arg10: memref<512x64xf32, #tpu.memory_space<vmem>>, %arg11: memref<!tpu.dma_semaphore, #tpu.memory_space<semaphore_mem>>, %arg12: memref<!tpu.dma_semaphore, #tpu.memory_space<semaphore_mem>>, %arg13: memref<!tpu.dma_semaphore, #tpu.memory_space<semaphore_mem>>, %arg14: memref<!tpu.dma_semaphore, #tpu.memory_space<semaphore_mem>>, %arg15: memref<!tpu.dma_semaphore, #tpu.memory_space<semaphore_mem>>, %arg16: memref<!tpu.dma_semaphore, #tpu.memory_space<semaphore_mem>>, %arg17: memref<!tpu.dma_semaphore, #tpu.memory_space<semaphore_mem>>, %arg18: memref<!tpu.dma_semaphore, #tpu.memory_space<semaphore_mem>>, %arg19: memref<!tpu.dma_semaphore, #tpu.memory_space<semaphore_mem>>) attributes {dimension_semantics = [#tpu.dimension_semantics<core_parallel>, #tpu.dimension_semantics<subcore_parallel>], iteration_bounds = array<i64: 2, 16>, scalar_prefetch = 0 : i64, scratch_operands = 15 : i64, tpu.core_type = #tpu.core_type<sc_vector_subcore>, window_params = [{transform_indices = #map}, {transform_indices = #map}, {transform_indices = #map}]} {
    %mul3A = arith.constant 2 : i32
    %mul3A_0 = arith.muli %arg1, %mul3A : i32
    %add3A = arith.addi %mul3A_0, %arg0 : i32
    %mul3A_1 = arith.constant 50 : i32
    %mul3A_2 = arith.muli %add3A, %mul3A_1 : i32
    %jit3A = arith.constant 8 : i32
    %div3A = arith.divsi %mul3A_2, %jit3A : i32
    %sign3A = arith.constant 0 : i32
    %sign3A_3 = arith.cmpi sgt, %mul3A_2, %sign3A : i32
    %sign3A_4 = arith.extui %sign3A_3 : i1 to i32
    %sign3A_5 = arith.constant 0 : i32
    %sign3A_6 = arith.cmpi slt, %mul3A_2, %sign3A_5 : i32
    %sign3A_7 = arith.extui %sign3A_6 : i1 to i32
    %sign3A_8 = arith.subi %sign3A_4, %sign3A_7 : i32
    %sign3A_9 = arith.constant 0 : i32
    %sign3A_10 = arith.cmpi sgt, %jit3A, %sign3A_9 : i32
    %sign3A_11 = arith.extui %sign3A_10 : i1 to i32
    %sign3A_12 = arith.constant 0 : i32
    %sign3A_13 = arith.cmpi slt, %jit3A, %sign3A_12 : i32
    %sign3A_14 = arith.extui %sign3A_13 : i1 to i32
    %sign3A_15 = arith.subi %sign3A_11, %sign3A_14 : i32
    %ne3A = arith.cmpi ne, %sign3A_8, %sign3A_15 : i32
    %rem3A = arith.remsi %mul3A_2, %jit3A : i32
    %ne3A_16 = arith.constant 0 : i32
    %ne3A_17 = arith.cmpi ne, %rem3A, %ne3A_16 : i32
    %and3A = arith.andi %ne3A, %ne3A_17 : i1
    %sub3A = arith.constant 1 : i32
    %sub3A_18 = arith.subi %div3A, %sub3A : i32
    %select_n3A = arith.select %and3A, %sub3A_18, %div3A : i32
    %jit3A_19 = arith.constant 8 : i32
    %eq3A = arith.constant 0 : i32
    %eq3A_20 = arith.cmpi eq, %jit3A_19, %eq3A : i32
    %jit3A_21 = arith.constant 1 : i32
    %select_n3A_22 = arith.select %eq3A_20, %jit3A_21, %jit3A_19 : i32
    %rem3A_23 = arith.remsi %mul3A_2, %select_n3A_22 : i32
    %ne3A_24 = arith.constant 0 : i32
    %ne3A_25 = arith.cmpi ne, %rem3A_23, %ne3A_24 : i32
    %lt3A = arith.constant 0 : i32
    %lt3A_26 = arith.cmpi slt, %rem3A_23, %lt3A : i32
    %lt3A_27 = arith.constant 0 : i32
    %lt3A_28 = arith.cmpi slt, %select_n3A_22, %lt3A_27 : i32
    %ne3A_29 = arith.xori %lt3A_26, %lt3A_28 : i1
    %and3A_30 = arith.andi %ne3A_29, %ne3A_25 : i1
    %add3A_31 = arith.addi %rem3A_23, %select_n3A_22 : i32
    %select_n3A_32 = arith.select %and3A_30, %add3A_31, %rem3A_23 : i32
    %mul3A_33 = arith.constant 512 : i32
    %mul3A_34 = arith.muli %select_n3A_32, %mul3A_33 : i32
    %dma_start3A = tpu.memref_slice %arg2[%select_n3A, %mul3A_34] : memref<200x4096xi32, #tpu.memory_space<hbm>> -> memref<1x512xi32, #tpu.memory_space<hbm>>
    %dma_start3A_35 = tpu.memref_squeeze %dma_start3A : memref<1x512xi32, #tpu.memory_space<hbm>> -> memref<512xi32, #tpu.memory_space<hbm>>
    %dma_start3A_36 = tpu.memref_slice %arg2[%select_n3A, %mul3A_34] : memref<200x4096xi32, #tpu.memory_space<hbm>> -> memref<1x512xi32, #tpu.memory_space<hbm>>
    %dma_start3A_37 = tpu.memref_squeeze %dma_start3A_36 : memref<1x512xi32, #tpu.memory_space<hbm>> -> memref<512xi32, #tpu.memory_space<hbm>>
    tpu.enqueue_dma source(%dma_start3A_37 : memref<512xi32, #tpu.memory_space<hbm>>) target(%arg5 : memref<512xi32, #tpu.memory_space<vmem>>) target_semaphore(%arg17 : memref<!tpu.dma_semaphore, #tpu.memory_space<semaphore_mem>>)
    %add3A_38 = arith.constant 1 : i32
    %add3A_39 = arith.addi %mul3A_2, %add3A_38 : i32
    %jit3A_40 = arith.constant 8 : i32
    %div3A_41 = arith.divsi %add3A_39, %jit3A_40 : i32
    %sign3A_42 = arith.constant 0 : i32
    %sign3A_43 = arith.cmpi sgt, %add3A_39, %sign3A_42 : i32
    %sign3A_44 = arith.extui %sign3A_43 : i1 to i32
    %sign3A_45 = arith.constant 0 : i32
    %sign3A_46 = arith.cmpi slt, %add3A_39, %sign3A_45 : i32
    %sign3A_47 = arith.extui %sign3A_46 : i1 to i32
    %sign3A_48 = arith.subi %sign3A_44, %sign3A_47 : i32
    %sign3A_49 = arith.constant 0 : i32
    %sign3A_50 = arith.cmpi sgt, %jit3A_40, %sign3A_49 : i32
    %sign3A_51 = arith.extui %sign3A_50 : i1 to i32
    %sign3A_52 = arith.constant 0 : i32
    %sign3A_53 = arith.cmpi slt, %jit3A_40, %sign3A_52 : i32
    %sign3A_54 = arith.extui %sign3A_53 : i1 to i32
    %sign3A_55 = arith.subi %sign3A_51, %sign3A_54 : i32
    %ne3A_56 = arith.cmpi ne, %sign3A_48, %sign3A_55 : i32
    %rem3A_57 = arith.remsi %add3A_39, %jit3A_40 : i32
    %ne3A_58 = arith.constant 0 : i32
    %ne3A_59 = arith.cmpi ne, %rem3A_57, %ne3A_58 : i32
    %and3A_60 = arith.andi %ne3A_56, %ne3A_59 : i1
    %sub3A_61 = arith.constant 1 : i32
    %sub3A_62 = arith.subi %div3A_41, %sub3A_61 : i32
    %select_n3A_63 = arith.select %and3A_60, %sub3A_62, %div3A_41 : i32
    %jit3A_64 = arith.constant 8 : i32
    %eq3A_65 = arith.constant 0 : i32
    %eq3A_66 = arith.cmpi eq, %jit3A_64, %eq3A_65 : i32
    %jit3A_67 = arith.constant 1 : i32
    %select_n3A_68 = arith.select %eq3A_66, %jit3A_67, %jit3A_64 : i32
    %rem3A_69 = arith.remsi %add3A_39, %select_n3A_68 : i32
    %ne3A_70 = arith.constant 0 : i32
    %ne3A_71 = arith.cmpi ne, %rem3A_69, %ne3A_70 : i32
    %lt3A_72 = arith.constant 0 : i32
    %lt3A_73 = arith.cmpi slt, %rem3A_69, %lt3A_72 : i32
    %lt3A_74 = arith.constant 0 : i32
    %lt3A_75 = arith.cmpi slt, %select_n3A_68, %lt3A_74 : i32
    %ne3A_76 = arith.xori %lt3A_73, %lt3A_75 : i1
    %and3A_77 = arith.andi %ne3A_76, %ne3A_71 : i1
    %add3A_78 = arith.addi %rem3A_69, %select_n3A_68 : i32
    %select_n3A_79 = arith.select %and3A_77, %add3A_78, %rem3A_69 : i32
    %mul3A_80 = arith.constant 512 : i32
    %mul3A_81 = arith.muli %select_n3A_79, %mul3A_80 : i32
    %dma_start3A_82 = tpu.memref_slice %arg2[%select_n3A_63, %mul3A_81] : memref<200x4096xi32, #tpu.memory_space<hbm>> -> memref<1x512xi32, #tpu.memory_space<hbm>>
    %dma_start3A_83 = tpu.memref_squeeze %dma_start3A_82 : memref<1x512xi32, #tpu.memory_space<hbm>> -> memref<512xi32, #tpu.memory_space<hbm>>
    %dma_start3A_84 = tpu.memref_slice %arg2[%select_n3A_63, %mul3A_81] : memref<200x4096xi32, #tpu.memory_space<hbm>> -> memref<1x512xi32, #tpu.memory_space<hbm>>
    %dma_start3A_85 = tpu.memref_squeeze %dma_start3A_84 : memref<1x512xi32, #tpu.memory_space<hbm>> -> memref<512xi32, #tpu.memory_space<hbm>>
    tpu.enqueue_dma source(%dma_start3A_85 : memref<512xi32, #tpu.memory_space<hbm>>) target(%arg6 : memref<512xi32, #tpu.memory_space<vmem>>) target_semaphore(%arg18 : memref<!tpu.dma_semaphore, #tpu.memory_space<semaphore_mem>>)
    %dma_wait3A = arith.constant 0 : i32
    %dma_wait3A_86 = arith.constant 0 : i32
    %dma_wait3A_87 = tpu.memref_slice %arg2[%dma_wait3A, %dma_wait3A_86] : memref<200x4096xi32, #tpu.memory_space<hbm>> -> memref<1x512xi32, #tpu.memory_space<hbm>>
    %dma_wait3A_88 = tpu.memref_squeeze %dma_wait3A_87 : memref<1x512xi32, #tpu.memory_space<hbm>> -> memref<512xi32, #tpu.memory_space<hbm>>
    %dma_wait3A_89 = arith.constant 0 : i32
    %dma_wait3A_90 = tpu.memref_slice %arg2[%dma_wait3A, %dma_wait3A_89] : memref<200x4096xi32, #tpu.memory_space<hbm>> -> memref<1x512xi32, #tpu.memory_space<hbm>>
    %dma_wait3A_91 = tpu.memref_squeeze %dma_wait3A_90 : memref<1x512xi32, #tpu.memory_space<hbm>> -> memref<512xi32, #tpu.memory_space<hbm>>
    tpu.wait_dma2 semaphore(%arg17 : memref<!tpu.dma_semaphore, #tpu.memory_space<semaphore_mem>>) src(%dma_wait3A_91 : memref<512xi32, #tpu.memory_space<hbm>>) dst(%arg5 : memref<512xi32, #tpu.memory_space<vmem>>)
    %dma_start3A_92 = arith.constant 0 : i32
    %dma_start3A_93 = arith.constant 0 : i32
    %dma_start3A_94 = tpu.memref_slice %arg3[%dma_start3A_92, %dma_start3A_93] : memref<100000x64xf32, #tpu.memory_space<hbm>> -> memref<100000x64xf32, #tpu.memory_space<hbm>>
    tpu.enqueue_indirect_dma source(%dma_start3A_94 : memref<100000x64xf32, #tpu.memory_space<hbm>>) target(%arg8 : memref<512x64xf32, #tpu.memory_space<vmem>>) offsets(%arg5 : memref<512xi32, #tpu.memory_space<vmem>>) semaphore(%arg11 : memref<!tpu.dma_semaphore, #tpu.memory_space<semaphore_mem>>)
    %scan3A = arith.constant 0 : i32
    %scan3A_95 = arith.constant 16 : i32
    %scan3A_96 = arith.addi %scan3A, %scan3A_95 : i32
    %scan3A_97 = arith.constant 1 : i32
    scf.for %scan3A_245 = %scan3A to %scan3A_96 step %scan3A_97  : i32 {
      %mul3A_246 = arith.constant 3 : i32
      %mul3A_247 = arith.muli %scan3A_245, %mul3A_246 : i32
      %add3A_248 = arith.constant 0 : i32
      %add3A_249 = arith.addi %mul3A_247, %add3A_248 : i32
      %add3A_250 = arith.addi %mul3A_2, %add3A_249 : i32
      %add3A_251 = arith.constant 2 : i32
      %add3A_252 = arith.addi %add3A_249, %add3A_251 : i32
      %lt3A_253 = arith.constant 50 : i32
      %lt3A_254 = arith.cmpi slt, %add3A_252, %lt3A_253 : i32
      %convert_element_type3A = arith.extui %lt3A_254 : i1 to i32
      %cond3A = arith.constant 0 : i32
      %cond3A_255 = arith.cmpi ne, %convert_element_type3A, %cond3A : i32
      scf.if %cond3A_255 {
        %ge3A = arith.constant 1 : i32
        %ge3A_466 = arith.cmpi sge, %add3A_249, %ge3A : i32
        %convert_element_type3A_467 = arith.extui %ge3A_466 : i1 to i32
        %cond3A_468 = arith.constant 0 : i32
        %cond3A_469 = arith.cmpi ne, %convert_element_type3A_467, %cond3A_468 : i32
        scf.if %cond3A_469 {
          %dma_wait3A_518 = arith.constant 0 : i32
          %dma_wait3A_519 = arith.constant 0 : i32
          %dma_wait3A_520 = tpu.memref_slice %arg4[%dma_wait3A_518, %dma_wait3A_519] : memref<819200x64xf32, #tpu.memory_space<hbm>> -> memref<512x64xf32, #tpu.memory_space<hbm>>
          %dma_wait3A_521 = arith.constant 0 : i32
          %dma_wait3A_522 = arith.constant 0 : i32
          %dma_wait3A_523 = tpu.memref_slice %arg4[%dma_wait3A_521, %dma_wait3A_522] : memref<819200x64xf32, #tpu.memory_space<hbm>> -> memref<512x64xf32, #tpu.memory_space<hbm>>
          tpu.wait_dma2 semaphore(%arg16 : memref<!tpu.dma_semaphore, #tpu.memory_space<semaphore_mem>>) src(%arg10 : memref<512x64xf32, #tpu.memory_space<vmem>>) dst(%dma_wait3A_523 : memref<512x64xf32, #tpu.memory_space<hbm>>)
        } else {
        }
        %add3A_470 = arith.constant 2 : i32
        %add3A_471 = arith.addi %add3A_250, %add3A_470 : i32
        %jit3A_472 = arith.constant 8 : i32
        %div3A_473 = arith.divsi %add3A_471, %jit3A_472 : i32
        %sign3A_474 = arith.constant 0 : i32
        %sign3A_475 = arith.cmpi sgt, %add3A_471, %sign3A_474 : i32
        %sign3A_476 = arith.extui %sign3A_475 : i1 to i32
        %sign3A_477 = arith.constant 0 : i32
        %sign3A_478 = arith.cmpi slt, %add3A_471, %sign3A_477 : i32
        %sign3A_479 = arith.extui %sign3A_478 : i1 to i32
        %sign3A_480 = arith.subi %sign3A_476, %sign3A_479 : i32
        %sign3A_481 = arith.constant 0 : i32
        %sign3A_482 = arith.cmpi sgt, %jit3A_472, %sign3A_481 : i32
        %sign3A_483 = arith.extui %sign3A_482 : i1 to i32
        %sign3A_484 = arith.constant 0 : i32
        %sign3A_485 = arith.cmpi slt, %jit3A_472, %sign3A_484 : i32
        %sign3A_486 = arith.extui %sign3A_485 : i1 to i32
        %sign3A_487 = arith.subi %sign3A_483, %sign3A_486 : i32
        %ne3A_488 = arith.cmpi ne, %sign3A_480, %sign3A_487 : i32
        %rem3A_489 = arith.remsi %add3A_471, %jit3A_472 : i32
        %ne3A_490 = arith.constant 0 : i32
        %ne3A_491 = arith.cmpi ne, %rem3A_489, %ne3A_490 : i32
        %and3A_492 = arith.andi %ne3A_488, %ne3A_491 : i1
        %sub3A_493 = arith.constant 1 : i32
        %sub3A_494 = arith.subi %div3A_473, %sub3A_493 : i32
        %select_n3A_495 = arith.select %and3A_492, %sub3A_494, %div3A_473 : i32
        %jit3A_496 = arith.constant 8 : i32
        %eq3A_497 = arith.constant 0 : i32
        %eq3A_498 = arith.cmpi eq, %jit3A_496, %eq3A_497 : i32
        %jit3A_499 = arith.constant 1 : i32
        %select_n3A_500 = arith.select %eq3A_498, %jit3A_499, %jit3A_496 : i32
        %rem3A_501 = arith.remsi %add3A_471, %select_n3A_500 : i32
        %ne3A_502 = arith.constant 0 : i32
        %ne3A_503 = arith.cmpi ne, %rem3A_501, %ne3A_502 : i32
        %lt3A_504 = arith.constant 0 : i32
        %lt3A_505 = arith.cmpi slt, %rem3A_501, %lt3A_504 : i32
        %lt3A_506 = arith.constant 0 : i32
        %lt3A_507 = arith.cmpi slt, %select_n3A_500, %lt3A_506 : i32
        %ne3A_508 = arith.xori %lt3A_505, %lt3A_507 : i1
        %and3A_509 = arith.andi %ne3A_508, %ne3A_503 : i1
        %add3A_510 = arith.addi %rem3A_501, %select_n3A_500 : i32
        %select_n3A_511 = arith.select %and3A_509, %add3A_510, %rem3A_501 : i32
        %mul3A_512 = arith.constant 512 : i32
        %mul3A_513 = arith.muli %select_n3A_511, %mul3A_512 : i32
        %dma_start3A_514 = tpu.memref_slice %arg2[%select_n3A_495, %mul3A_513] : memref<200x4096xi32, #tpu.memory_space<hbm>> -> memref<1x512xi32, #tpu.memory_space<hbm>>
        %dma_start3A_515 = tpu.memref_squeeze %dma_start3A_514 : memref<1x512xi32, #tpu.memory_space<hbm>> -> memref<512xi32, #tpu.memory_space<hbm>>
        %dma_start3A_516 = tpu.memref_slice %arg2[%select_n3A_495, %mul3A_513] : memref<200x4096xi32, #tpu.memory_space<hbm>> -> memref<1x512xi32, #tpu.memory_space<hbm>>
        %dma_start3A_517 = tpu.memref_squeeze %dma_start3A_516 : memref<1x512xi32, #tpu.memory_space<hbm>> -> memref<512xi32, #tpu.memory_space<hbm>>
        tpu.enqueue_dma source(%dma_start3A_517 : memref<512xi32, #tpu.memory_space<hbm>>) target(%arg7 : memref<512xi32, #tpu.memory_space<vmem>>) target_semaphore(%arg19 : memref<!tpu.dma_semaphore, #tpu.memory_space<semaphore_mem>>)
      } else {
      }
      %add3A_256 = arith.constant 1 : i32
      %add3A_257 = arith.addi %add3A_249, %add3A_256 : i32
      %lt3A_258 = arith.constant 50 : i32
      %lt3A_259 = arith.cmpi slt, %add3A_257, %lt3A_258 : i32
      %convert_element_type3A_260 = arith.extui %lt3A_259 : i1 to i32
      %cond3A_261 = arith.constant 0 : i32
      %cond3A_262 = arith.cmpi ne, %convert_element_type3A_260, %cond3A_261 : i32
      scf.if %cond3A_262 {
        %add3A_466 = arith.constant 1 : i32
        %add3A_467 = arith.addi %add3A_250, %add3A_466 : i32
        %dma_wait3A_468 = arith.constant 0 : i32
        %dma_wait3A_469 = arith.constant 0 : i32
        %dma_wait3A_470 = tpu.memref_slice %arg2[%dma_wait3A_468, %dma_wait3A_469] : memref<200x4096xi32, #tpu.memory_space<hbm>> -> memref<1x512xi32, #tpu.memory_space<hbm>>
        %dma_wait3A_471 = tpu.memref_squeeze %dma_wait3A_470 : memref<1x512xi32, #tpu.memory_space<hbm>> -> memref<512xi32, #tpu.memory_space<hbm>>
        %dma_wait3A_472 = arith.constant 0 : i32
        %dma_wait3A_473 = tpu.memref_slice %arg2[%dma_wait3A_468, %dma_wait3A_472] : memref<200x4096xi32, #tpu.memory_space<hbm>> -> memref<1x512xi32, #tpu.memory_space<hbm>>
        %dma_wait3A_474 = tpu.memref_squeeze %dma_wait3A_473 : memref<1x512xi32, #tpu.memory_space<hbm>> -> memref<512xi32, #tpu.memory_space<hbm>>
        tpu.wait_dma2 semaphore(%arg18 : memref<!tpu.dma_semaphore, #tpu.memory_space<semaphore_mem>>) src(%dma_wait3A_474 : memref<512xi32, #tpu.memory_space<hbm>>) dst(%arg6 : memref<512xi32, #tpu.memory_space<vmem>>)
        %dma_start3A_475 = arith.constant 0 : i32
        %dma_start3A_476 = arith.constant 0 : i32
        %dma_start3A_477 = tpu.memref_slice %arg3[%dma_start3A_475, %dma_start3A_476] : memref<100000x64xf32, #tpu.memory_space<hbm>> -> memref<100000x64xf32, #tpu.memory_space<hbm>>
        tpu.enqueue_indirect_dma source(%dma_start3A_477 : memref<100000x64xf32, #tpu.memory_space<hbm>>) target(%arg9 : memref<512x64xf32, #tpu.memory_space<vmem>>) offsets(%arg6 : memref<512xi32, #tpu.memory_space<vmem>>) semaphore(%arg12 : memref<!tpu.dma_semaphore, #tpu.memory_space<semaphore_mem>>)
      } else {
      }
      %dma_wait3A_263 = arith.constant 0 : i32
      %dma_wait3A_264 = arith.constant 0 : i32
      %dma_wait3A_265 = tpu.memref_slice %arg3[%dma_wait3A_263, %dma_wait3A_264] : memref<100000x64xf32, #tpu.memory_space<hbm>> -> memref<512x64xf32, #tpu.memory_space<hbm>>
      %dma_wait3A_266 = arith.constant 0 : i32
      %dma_wait3A_267 = arith.constant 0 : i32
      %dma_wait3A_268 = tpu.memref_slice %arg3[%dma_wait3A_266, %dma_wait3A_267] : memref<100000x64xf32, #tpu.memory_space<hbm>> -> memref<512x64xf32, #tpu.memory_space<hbm>>
      tpu.wait_dma2 semaphore(%arg11 : memref<!tpu.dma_semaphore, #tpu.memory_space<semaphore_mem>>) src(%dma_wait3A_268 : memref<512x64xf32, #tpu.memory_space<hbm>>) dst(%arg8 : memref<512x64xf32, #tpu.memory_space<vmem>>)
      %jit3A_269 = arith.constant 8 : i32
      %div3A_270 = arith.divsi %add3A_250, %jit3A_269 : i32
      %sign3A_271 = arith.constant 0 : i32
      %sign3A_272 = arith.cmpi sgt, %add3A_250, %sign3A_271 : i32
      %sign3A_273 = arith.extui %sign3A_272 : i1 to i32
      %sign3A_274 = arith.constant 0 : i32
      %sign3A_275 = arith.cmpi slt, %add3A_250, %sign3A_274 : i32
      %sign3A_276 = arith.extui %sign3A_275 : i1 to i32
      %sign3A_277 = arith.subi %sign3A_273, %sign3A_276 : i32
      %sign3A_278 = arith.constant 0 : i32
      %sign3A_279 = arith.cmpi sgt, %jit3A_269, %sign3A_278 : i32
      %sign3A_280 = arith.extui %sign3A_279 : i1 to i32
      %sign3A_281 = arith.constant 0 : i32
      %sign3A_282 = arith.cmpi slt, %jit3A_269, %sign3A_281 : i32
      %sign3A_283 = arith.extui %sign3A_282 : i1 to i32
      %sign3A_284 = arith.subi %sign3A_280, %sign3A_283 : i32
      %ne3A_285 = arith.cmpi ne, %sign3A_277, %sign3A_284 : i32
      %rem3A_286 = arith.remsi %add3A_250, %jit3A_269 : i32
      %ne3A_287 = arith.constant 0 : i32
      %ne3A_288 = arith.cmpi ne, %rem3A_286, %ne3A_287 : i32
      %and3A_289 = arith.andi %ne3A_285, %ne3A_288 : i1
      %sub3A_290 = arith.constant 1 : i32
      %sub3A_291 = arith.subi %div3A_270, %sub3A_290 : i32
      %select_n3A_292 = arith.select %and3A_289, %sub3A_291, %div3A_270 : i32
      %jit3A_293 = arith.constant 8 : i32
      %eq3A_294 = arith.constant 0 : i32
      %eq3A_295 = arith.cmpi eq, %jit3A_293, %eq3A_294 : i32
      %jit3A_296 = arith.constant 1 : i32
      %select_n3A_297 = arith.select %eq3A_295, %jit3A_296, %jit3A_293 : i32
      %rem3A_298 = arith.remsi %add3A_250, %select_n3A_297 : i32
      %ne3A_299 = arith.constant 0 : i32
      %ne3A_300 = arith.cmpi ne, %rem3A_298, %ne3A_299 : i32
      %lt3A_301 = arith.constant 0 : i32
      %lt3A_302 = arith.cmpi slt, %rem3A_298, %lt3A_301 : i32
      %lt3A_303 = arith.constant 0 : i32
      %lt3A_304 = arith.cmpi slt, %select_n3A_297, %lt3A_303 : i32
      %ne3A_305 = arith.xori %lt3A_302, %lt3A_304 : i1
      %and3A_306 = arith.andi %ne3A_305, %ne3A_300 : i1
      %add3A_307 = arith.addi %rem3A_298, %select_n3A_297 : i32
      %select_n3A_308 = arith.select %and3A_306, %add3A_307, %rem3A_298 : i32
      %mul3A_309 = arith.constant 4096 : i32
      %mul3A_310 = arith.muli %select_n3A_292, %mul3A_309 : i32
      %mul3A_311 = arith.constant 512 : i32
      %mul3A_312 = arith.muli %select_n3A_308, %mul3A_311 : i32
      %add3A_313 = arith.addi %mul3A_310, %mul3A_312 : i32
      %dma_start3A_314 = arith.constant 0 : i32
      %dma_start3A_315 = tpu.memref_slice %arg4[%add3A_313, %dma_start3A_314] : memref<819200x64xf32, #tpu.memory_space<hbm>> -> memref<512x64xf32, #tpu.memory_space<hbm>>
      %dma_start3A_316 = arith.constant 0 : i32
      %dma_start3A_317 = tpu.memref_slice %arg4[%add3A_313, %dma_start3A_316] : memref<819200x64xf32, #tpu.memory_space<hbm>> -> memref<512x64xf32, #tpu.memory_space<hbm>>
      tpu.enqueue_dma source(%arg8 : memref<512x64xf32, #tpu.memory_space<vmem>>) target(%dma_start3A_317 : memref<512x64xf32, #tpu.memory_space<hbm>>) target_semaphore(%arg14 : memref<!tpu.dma_semaphore, #tpu.memory_space<semaphore_mem>>)
      %mul3A_318 = arith.constant 3 : i32
      %mul3A_319 = arith.muli %scan3A_245, %mul3A_318 : i32
      %add3A_320 = arith.constant 1 : i32
      %add3A_321 = arith.addi %mul3A_319, %add3A_320 : i32
      %add3A_322 = arith.addi %mul3A_2, %add3A_321 : i32
      %add3A_323 = arith.constant 2 : i32
      %add3A_324 = arith.addi %add3A_321, %add3A_323 : i32
      %lt3A_325 = arith.constant 50 : i32
      %lt3A_326 = arith.cmpi slt, %add3A_324, %lt3A_325 : i32
      %convert_element_type3A_327 = arith.extui %lt3A_326 : i1 to i32
      %cond3A_328 = arith.constant 0 : i32
      %cond3A_329 = arith.cmpi ne, %convert_element_type3A_327, %cond3A_328 : i32
      scf.if %cond3A_329 {
        %ge3A = arith.constant 1 : i32
        %ge3A_466 = arith.cmpi sge, %add3A_321, %ge3A : i32
        %convert_element_type3A_467 = arith.extui %ge3A_466 : i1 to i32
        %cond3A_468 = arith.constant 0 : i32
        %cond3A_469 = arith.cmpi ne, %convert_element_type3A_467, %cond3A_468 : i32
        scf.if %cond3A_469 {
          %dma_wait3A_518 = arith.constant 0 : i32
          %dma_wait3A_519 = arith.constant 0 : i32
          %dma_wait3A_520 = tpu.memref_slice %arg4[%dma_wait3A_518, %dma_wait3A_519] : memref<819200x64xf32, #tpu.memory_space<hbm>> -> memref<512x64xf32, #tpu.memory_space<hbm>>
          %dma_wait3A_521 = arith.constant 0 : i32
          %dma_wait3A_522 = arith.constant 0 : i32
          %dma_wait3A_523 = tpu.memref_slice %arg4[%dma_wait3A_521, %dma_wait3A_522] : memref<819200x64xf32, #tpu.memory_space<hbm>> -> memref<512x64xf32, #tpu.memory_space<hbm>>
          tpu.wait_dma2 semaphore(%arg14 : memref<!tpu.dma_semaphore, #tpu.memory_space<semaphore_mem>>) src(%arg8 : memref<512x64xf32, #tpu.memory_space<vmem>>) dst(%dma_wait3A_523 : memref<512x64xf32, #tpu.memory_space<hbm>>)
        } else {
        }
        %add3A_470 = arith.constant 2 : i32
        %add3A_471 = arith.addi %add3A_322, %add3A_470 : i32
        %jit3A_472 = arith.constant 8 : i32
        %div3A_473 = arith.divsi %add3A_471, %jit3A_472 : i32
        %sign3A_474 = arith.constant 0 : i32
        %sign3A_475 = arith.cmpi sgt, %add3A_471, %sign3A_474 : i32
        %sign3A_476 = arith.extui %sign3A_475 : i1 to i32
        %sign3A_477 = arith.constant 0 : i32
        %sign3A_478 = arith.cmpi slt, %add3A_471, %sign3A_477 : i32
        %sign3A_479 = arith.extui %sign3A_478 : i1 to i32
        %sign3A_480 = arith.subi %sign3A_476, %sign3A_479 : i32
        %sign3A_481 = arith.constant 0 : i32
        %sign3A_482 = arith.cmpi sgt, %jit3A_472, %sign3A_481 : i32
        %sign3A_483 = arith.extui %sign3A_482 : i1 to i32
        %sign3A_484 = arith.constant 0 : i32
        %sign3A_485 = arith.cmpi slt, %jit3A_472, %sign3A_484 : i32
        %sign3A_486 = arith.extui %sign3A_485 : i1 to i32
        %sign3A_487 = arith.subi %sign3A_483, %sign3A_486 : i32
        %ne3A_488 = arith.cmpi ne, %sign3A_480, %sign3A_487 : i32
        %rem3A_489 = arith.remsi %add3A_471, %jit3A_472 : i32
        %ne3A_490 = arith.constant 0 : i32
        %ne3A_491 = arith.cmpi ne, %rem3A_489, %ne3A_490 : i32
        %and3A_492 = arith.andi %ne3A_488, %ne3A_491 : i1
        %sub3A_493 = arith.constant 1 : i32
        %sub3A_494 = arith.subi %div3A_473, %sub3A_493 : i32
        %select_n3A_495 = arith.select %and3A_492, %sub3A_494, %div3A_473 : i32
        %jit3A_496 = arith.constant 8 : i32
        %eq3A_497 = arith.constant 0 : i32
        %eq3A_498 = arith.cmpi eq, %jit3A_496, %eq3A_497 : i32
        %jit3A_499 = arith.constant 1 : i32
        %select_n3A_500 = arith.select %eq3A_498, %jit3A_499, %jit3A_496 : i32
        %rem3A_501 = arith.remsi %add3A_471, %select_n3A_500 : i32
        %ne3A_502 = arith.constant 0 : i32
        %ne3A_503 = arith.cmpi ne, %rem3A_501, %ne3A_502 : i32
        %lt3A_504 = arith.constant 0 : i32
        %lt3A_505 = arith.cmpi slt, %rem3A_501, %lt3A_504 : i32
        %lt3A_506 = arith.constant 0 : i32
        %lt3A_507 = arith.cmpi slt, %select_n3A_500, %lt3A_506 : i32
        %ne3A_508 = arith.xori %lt3A_505, %lt3A_507 : i1
        %and3A_509 = arith.andi %ne3A_508, %ne3A_503 : i1
        %add3A_510 = arith.addi %rem3A_501, %select_n3A_500 : i32
        %select_n3A_511 = arith.select %and3A_509, %add3A_510, %rem3A_501 : i32
        %mul3A_512 = arith.constant 512 : i32
        %mul3A_513 = arith.muli %select_n3A_511, %mul3A_512 : i32
        %dma_start3A_514 = tpu.memref_slice %arg2[%select_n3A_495, %mul3A_513] : memref<200x4096xi32, #tpu.memory_space<hbm>> -> memref<1x512xi32, #tpu.memory_space<hbm>>
        %dma_start3A_515 = tpu.memref_squeeze %dma_start3A_514 : memref<1x512xi32, #tpu.memory_space<hbm>> -> memref<512xi32, #tpu.memory_space<hbm>>
        %dma_start3A_516 = tpu.memref_slice %arg2[%select_n3A_495, %mul3A_513] : memref<200x4096xi32, #tpu.memory_space<hbm>> -> memref<1x512xi32, #tpu.memory_space<hbm>>
        %dma_start3A_517 = tpu.memref_squeeze %dma_start3A_516 : memref<1x512xi32, #tpu.memory_space<hbm>> -> memref<512xi32, #tpu.memory_space<hbm>>
        tpu.enqueue_dma source(%dma_start3A_517 : memref<512xi32, #tpu.memory_space<hbm>>) target(%arg5 : memref<512xi32, #tpu.memory_space<vmem>>) target_semaphore(%arg17 : memref<!tpu.dma_semaphore, #tpu.memory_space<semaphore_mem>>)
      } else {
      }
      %add3A_330 = arith.constant 1 : i32
      %add3A_331 = arith.addi %add3A_321, %add3A_330 : i32
      %lt3A_332 = arith.constant 50 : i32
      %lt3A_333 = arith.cmpi slt, %add3A_331, %lt3A_332 : i32
      %convert_element_type3A_334 = arith.extui %lt3A_333 : i1 to i32
      %cond3A_335 = arith.constant 0 : i32
      %cond3A_336 = arith.cmpi ne, %convert_element_type3A_334, %cond3A_335 : i32
      scf.if %cond3A_336 {
        %add3A_466 = arith.constant 1 : i32
        %add3A_467 = arith.addi %add3A_322, %add3A_466 : i32
        %dma_wait3A_468 = arith.constant 0 : i32
        %dma_wait3A_469 = arith.constant 0 : i32
        %dma_wait3A_470 = tpu.memref_slice %arg2[%dma_wait3A_468, %dma_wait3A_469] : memref<200x4096xi32, #tpu.memory_space<hbm>> -> memref<1x512xi32, #tpu.memory_space<hbm>>
        %dma_wait3A_471 = tpu.memref_squeeze %dma_wait3A_470 : memref<1x512xi32, #tpu.memory_space<hbm>> -> memref<512xi32, #tpu.memory_space<hbm>>
        %dma_wait3A_472 = arith.constant 0 : i32
        %dma_wait3A_473 = tpu.memref_slice %arg2[%dma_wait3A_468, %dma_wait3A_472] : memref<200x4096xi32, #tpu.memory_space<hbm>> -> memref<1x512xi32, #tpu.memory_space<hbm>>
        %dma_wait3A_474 = tpu.memref_squeeze %dma_wait3A_473 : memref<1x512xi32, #tpu.memory_space<hbm>> -> memref<512xi32, #tpu.memory_space<hbm>>
        tpu.wait_dma2 semaphore(%arg19 : memref<!tpu.dma_semaphore, #tpu.memory_space<semaphore_mem>>) src(%dma_wait3A_474 : memref<512xi32, #tpu.memory_space<hbm>>) dst(%arg7 : memref<512xi32, #tpu.memory_space<vmem>>)
        %dma_start3A_475 = arith.constant 0 : i32
        %dma_start3A_476 = arith.constant 0 : i32
        %dma_start3A_477 = tpu.memref_slice %arg3[%dma_start3A_475, %dma_start3A_476] : memref<100000x64xf32, #tpu.memory_space<hbm>> -> memref<100000x64xf32, #tpu.memory_space<hbm>>
        tpu.enqueue_indirect_dma source(%dma_start3A_477 : memref<100000x64xf32, #tpu.memory_space<hbm>>) target(%arg10 : memref<512x64xf32, #tpu.memory_space<vmem>>) offsets(%arg7 : memref<512xi32, #tpu.memory_space<vmem>>) semaphore(%arg13 : memref<!tpu.dma_semaphore, #tpu.memory_space<semaphore_mem>>)
      } else {
      }
      %dma_wait3A_337 = arith.constant 0 : i32
      %dma_wait3A_338 = arith.constant 0 : i32
      %dma_wait3A_339 = tpu.memref_slice %arg3[%dma_wait3A_337, %dma_wait3A_338] : memref<100000x64xf32, #tpu.memory_space<hbm>> -> memref<512x64xf32, #tpu.memory_space<hbm>>
      %dma_wait3A_340 = arith.constant 0 : i32
      %dma_wait3A_341 = arith.constant 0 : i32
      %dma_wait3A_342 = tpu.memref_slice %arg3[%dma_wait3A_340, %dma_wait3A_341] : memref<100000x64xf32, #tpu.memory_space<hbm>> -> memref<512x64xf32, #tpu.memory_space<hbm>>
      tpu.wait_dma2 semaphore(%arg12 : memref<!tpu.dma_semaphore, #tpu.memory_space<semaphore_mem>>) src(%dma_wait3A_342 : memref<512x64xf32, #tpu.memory_space<hbm>>) dst(%arg9 : memref<512x64xf32, #tpu.memory_space<vmem>>)
      %jit3A_343 = arith.constant 8 : i32
      %div3A_344 = arith.divsi %add3A_322, %jit3A_343 : i32
      %sign3A_345 = arith.constant 0 : i32
      %sign3A_346 = arith.cmpi sgt, %add3A_322, %sign3A_345 : i32
      %sign3A_347 = arith.extui %sign3A_346 : i1 to i32
      %sign3A_348 = arith.constant 0 : i32
      %sign3A_349 = arith.cmpi slt, %add3A_322, %sign3A_348 : i32
      %sign3A_350 = arith.extui %sign3A_349 : i1 to i32
      %sign3A_351 = arith.subi %sign3A_347, %sign3A_350 : i32
      %sign3A_352 = arith.constant 0 : i32
      %sign3A_353 = arith.cmpi sgt, %jit3A_343, %sign3A_352 : i32
      %sign3A_354 = arith.extui %sign3A_353 : i1 to i32
      %sign3A_355 = arith.constant 0 : i32
      %sign3A_356 = arith.cmpi slt, %jit3A_343, %sign3A_355 : i32
      %sign3A_357 = arith.extui %sign3A_356 : i1 to i32
      %sign3A_358 = arith.subi %sign3A_354, %sign3A_357 : i32
      %ne3A_359 = arith.cmpi ne, %sign3A_351, %sign3A_358 : i32
      %rem3A_360 = arith.remsi %add3A_322, %jit3A_343 : i32
      %ne3A_361 = arith.constant 0 : i32
      %ne3A_362 = arith.cmpi ne, %rem3A_360, %ne3A_361 : i32
      %and3A_363 = arith.andi %ne3A_359, %ne3A_362 : i1
      %sub3A_364 = arith.constant 1 : i32
      %sub3A_365 = arith.subi %div3A_344, %sub3A_364 : i32
      %select_n3A_366 = arith.select %and3A_363, %sub3A_365, %div3A_344 : i32
      %jit3A_367 = arith.constant 8 : i32
      %eq3A_368 = arith.constant 0 : i32
      %eq3A_369 = arith.cmpi eq, %jit3A_367, %eq3A_368 : i32
      %jit3A_370 = arith.constant 1 : i32
      %select_n3A_371 = arith.select %eq3A_369, %jit3A_370, %jit3A_367 : i32
      %rem3A_372 = arith.remsi %add3A_322, %select_n3A_371 : i32
      %ne3A_373 = arith.constant 0 : i32
      %ne3A_374 = arith.cmpi ne, %rem3A_372, %ne3A_373 : i32
      %lt3A_375 = arith.constant 0 : i32
      %lt3A_376 = arith.cmpi slt, %rem3A_372, %lt3A_375 : i32
      %lt3A_377 = arith.constant 0 : i32
      %lt3A_378 = arith.cmpi slt, %select_n3A_371, %lt3A_377 : i32
      %ne3A_379 = arith.xori %lt3A_376, %lt3A_378 : i1
      %and3A_380 = arith.andi %ne3A_379, %ne3A_374 : i1
      %add3A_381 = arith.addi %rem3A_372, %select_n3A_371 : i32
      %select_n3A_382 = arith.select %and3A_380, %add3A_381, %rem3A_372 : i32
      %mul3A_383 = arith.constant 4096 : i32
      %mul3A_384 = arith.muli %select_n3A_366, %mul3A_383 : i32
      %mul3A_385 = arith.constant 512 : i32
      %mul3A_386 = arith.muli %select_n3A_382, %mul3A_385 : i32
      %add3A_387 = arith.addi %mul3A_384, %mul3A_386 : i32
      %dma_start3A_388 = arith.constant 0 : i32
      %dma_start3A_389 = tpu.memref_slice %arg4[%add3A_387, %dma_start3A_388] : memref<819200x64xf32, #tpu.memory_space<hbm>> -> memref<512x64xf32, #tpu.memory_space<hbm>>
      %dma_start3A_390 = arith.constant 0 : i32
      %dma_start3A_391 = tpu.memref_slice %arg4[%add3A_387, %dma_start3A_390] : memref<819200x64xf32, #tpu.memory_space<hbm>> -> memref<512x64xf32, #tpu.memory_space<hbm>>
      tpu.enqueue_dma source(%arg9 : memref<512x64xf32, #tpu.memory_space<vmem>>) target(%dma_start3A_391 : memref<512x64xf32, #tpu.memory_space<hbm>>) target_semaphore(%arg15 : memref<!tpu.dma_semaphore, #tpu.memory_space<semaphore_mem>>)
      %mul3A_392 = arith.constant 3 : i32
      %mul3A_393 = arith.muli %scan3A_245, %mul3A_392 : i32
      %add3A_394 = arith.constant 2 : i32
      %add3A_395 = arith.addi %mul3A_393, %add3A_394 : i32
      %add3A_396 = arith.addi %mul3A_2, %add3A_395 : i32
      %add3A_397 = arith.constant 2 : i32
      %add3A_398 = arith.addi %add3A_395, %add3A_397 : i32
      %lt3A_399 = arith.constant 50 : i32
      %lt3A_400 = arith.cmpi slt, %add3A_398, %lt3A_399 : i32
      %convert_element_type3A_401 = arith.extui %lt3A_400 : i1 to i32
      %cond3A_402 = arith.constant 0 : i32
      %cond3A_403 = arith.cmpi ne, %convert_element_type3A_401, %cond3A_402 : i32
      scf.if %cond3A_403 {
        %ge3A = arith.constant 1 : i32
        %ge3A_466 = arith.cmpi sge, %add3A_395, %ge3A : i32
        %convert_element_type3A_467 = arith.extui %ge3A_466 : i1 to i32
        %cond3A_468 = arith.constant 0 : i32
        %cond3A_469 = arith.cmpi ne, %convert_element_type3A_467, %cond3A_468 : i32
        scf.if %cond3A_469 {
          %dma_wait3A_518 = arith.constant 0 : i32
          %dma_wait3A_519 = arith.constant 0 : i32
          %dma_wait3A_520 = tpu.memref_slice %arg4[%dma_wait3A_518, %dma_wait3A_519] : memref<819200x64xf32, #tpu.memory_space<hbm>> -> memref<512x64xf32, #tpu.memory_space<hbm>>
          %dma_wait3A_521 = arith.constant 0 : i32
          %dma_wait3A_522 = arith.constant 0 : i32
          %dma_wait3A_523 = tpu.memref_slice %arg4[%dma_wait3A_521, %dma_wait3A_522] : memref<819200x64xf32, #tpu.memory_space<hbm>> -> memref<512x64xf32, #tpu.memory_space<hbm>>
          tpu.wait_dma2 semaphore(%arg15 : memref<!tpu.dma_semaphore, #tpu.memory_space<semaphore_mem>>) src(%arg9 : memref<512x64xf32, #tpu.memory_space<vmem>>) dst(%dma_wait3A_523 : memref<512x64xf32, #tpu.memory_space<hbm>>)
        } else {
        }
        %add3A_470 = arith.constant 2 : i32
        %add3A_471 = arith.addi %add3A_396, %add3A_470 : i32
        %jit3A_472 = arith.constant 8 : i32
        %div3A_473 = arith.divsi %add3A_471, %jit3A_472 : i32
        %sign3A_474 = arith.constant 0 : i32
        %sign3A_475 = arith.cmpi sgt, %add3A_471, %sign3A_474 : i32
        %sign3A_476 = arith.extui %sign3A_475 : i1 to i32
        %sign3A_477 = arith.constant 0 : i32
        %sign3A_478 = arith.cmpi slt, %add3A_471, %sign3A_477 : i32
        %sign3A_479 = arith.extui %sign3A_478 : i1 to i32
        %sign3A_480 = arith.subi %sign3A_476, %sign3A_479 : i32
        %sign3A_481 = arith.constant 0 : i32
        %sign3A_482 = arith.cmpi sgt, %jit3A_472, %sign3A_481 : i32
        %sign3A_483 = arith.extui %sign3A_482 : i1 to i32
        %sign3A_484 = arith.constant 0 : i32
        %sign3A_485 = arith.cmpi slt, %jit3A_472, %sign3A_484 : i32
        %sign3A_486 = arith.extui %sign3A_485 : i1 to i32
        %sign3A_487 = arith.subi %sign3A_483, %sign3A_486 : i32
        %ne3A_488 = arith.cmpi ne, %sign3A_480, %sign3A_487 : i32
        %rem3A_489 = arith.remsi %add3A_471, %jit3A_472 : i32
        %ne3A_490 = arith.constant 0 : i32
        %ne3A_491 = arith.cmpi ne, %rem3A_489, %ne3A_490 : i32
        %and3A_492 = arith.andi %ne3A_488, %ne3A_491 : i1
        %sub3A_493 = arith.constant 1 : i32
        %sub3A_494 = arith.subi %div3A_473, %sub3A_493 : i32
        %select_n3A_495 = arith.select %and3A_492, %sub3A_494, %div3A_473 : i32
        %jit3A_496 = arith.constant 8 : i32
        %eq3A_497 = arith.constant 0 : i32
        %eq3A_498 = arith.cmpi eq, %jit3A_496, %eq3A_497 : i32
        %jit3A_499 = arith.constant 1 : i32
        %select_n3A_500 = arith.select %eq3A_498, %jit3A_499, %jit3A_496 : i32
        %rem3A_501 = arith.remsi %add3A_471, %select_n3A_500 : i32
        %ne3A_502 = arith.constant 0 : i32
        %ne3A_503 = arith.cmpi ne, %rem3A_501, %ne3A_502 : i32
        %lt3A_504 = arith.constant 0 : i32
        %lt3A_505 = arith.cmpi slt, %rem3A_501, %lt3A_504 : i32
        %lt3A_506 = arith.constant 0 : i32
        %lt3A_507 = arith.cmpi slt, %select_n3A_500, %lt3A_506 : i32
        %ne3A_508 = arith.xori %lt3A_505, %lt3A_507 : i1
        %and3A_509 = arith.andi %ne3A_508, %ne3A_503 : i1
        %add3A_510 = arith.addi %rem3A_501, %select_n3A_500 : i32
        %select_n3A_511 = arith.select %and3A_509, %add3A_510, %rem3A_501 : i32
        %mul3A_512 = arith.constant 512 : i32
        %mul3A_513 = arith.muli %select_n3A_511, %mul3A_512 : i32
        %dma_start3A_514 = tpu.memref_slice %arg2[%select_n3A_495, %mul3A_513] : memref<200x4096xi32, #tpu.memory_space<hbm>> -> memref<1x512xi32, #tpu.memory_space<hbm>>
        %dma_start3A_515 = tpu.memref_squeeze %dma_start3A_514 : memref<1x512xi32, #tpu.memory_space<hbm>> -> memref<512xi32, #tpu.memory_space<hbm>>
        %dma_start3A_516 = tpu.memref_slice %arg2[%select_n3A_495, %mul3A_513] : memref<200x4096xi32, #tpu.memory_space<hbm>> -> memref<1x512xi32, #tpu.memory_space<hbm>>
        %dma_start3A_517 = tpu.memref_squeeze %dma_start3A_516 : memref<1x512xi32, #tpu.memory_space<hbm>> -> memref<512xi32, #tpu.memory_space<hbm>>
        tpu.enqueue_dma source(%dma_start3A_517 : memref<512xi32, #tpu.memory_space<hbm>>) target(%arg6 : memref<512xi32, #tpu.memory_space<vmem>>) target_semaphore(%arg18 : memref<!tpu.dma_semaphore, #tpu.memory_space<semaphore_mem>>)
      } else {
      }
      %add3A_404 = arith.constant 1 : i32
      %add3A_405 = arith.addi %add3A_395, %add3A_404 : i32
      %lt3A_406 = arith.constant 50 : i32
      %lt3A_407 = arith.cmpi slt, %add3A_405, %lt3A_406 : i32
      %convert_element_type3A_408 = arith.extui %lt3A_407 : i1 to i32
      %cond3A_409 = arith.constant 0 : i32
      %cond3A_410 = arith.cmpi ne, %convert_element_type3A_408, %cond3A_409 : i32
      scf.if %cond3A_410 {
        %add3A_466 = arith.constant 1 : i32
        %add3A_467 = arith.addi %add3A_396, %add3A_466 : i32
        %dma_wait3A_468 = arith.constant 0 : i32
        %dma_wait3A_469 = arith.constant 0 : i32
        %dma_wait3A_470 = tpu.memref_slice %arg2[%dma_wait3A_468, %dma_wait3A_469] : memref<200x4096xi32, #tpu.memory_space<hbm>> -> memref<1x512xi32, #tpu.memory_space<hbm>>
        %dma_wait3A_471 = tpu.memref_squeeze %dma_wait3A_470 : memref<1x512xi32, #tpu.memory_space<hbm>> -> memref<512xi32, #tpu.memory_space<hbm>>
        %dma_wait3A_472 = arith.constant 0 : i32
        %dma_wait3A_473 = tpu.memref_slice %arg2[%dma_wait3A_468, %dma_wait3A_472] : memref<200x4096xi32, #tpu.memory_space<hbm>> -> memref<1x512xi32, #tpu.memory_space<hbm>>
        %dma_wait3A_474 = tpu.memref_squeeze %dma_wait3A_473 : memref<1x512xi32, #tpu.memory_space<hbm>> -> memref<512xi32, #tpu.memory_space<hbm>>
        tpu.wait_dma2 semaphore(%arg17 : memref<!tpu.dma_semaphore, #tpu.memory_space<semaphore_mem>>) src(%dma_wait3A_474 : memref<512xi32, #tpu.memory_space<hbm>>) dst(%arg5 : memref<512xi32, #tpu.memory_space<vmem>>)
        %dma_start3A_475 = arith.constant 0 : i32
        %dma_start3A_476 = arith.constant 0 : i32
        %dma_start3A_477 = tpu.memref_slice %arg3[%dma_start3A_475, %dma_start3A_476] : memref<100000x64xf32, #tpu.memory_space<hbm>> -> memref<100000x64xf32, #tpu.memory_space<hbm>>
        tpu.enqueue_indirect_dma source(%dma_start3A_477 : memref<100000x64xf32, #tpu.memory_space<hbm>>) target(%arg8 : memref<512x64xf32, #tpu.memory_space<vmem>>) offsets(%arg5 : memref<512xi32, #tpu.memory_space<vmem>>) semaphore(%arg11 : memref<!tpu.dma_semaphore, #tpu.memory_space<semaphore_mem>>)
      } else {
      }
      %dma_wait3A_411 = arith.constant 0 : i32
      %dma_wait3A_412 = arith.constant 0 : i32
      %dma_wait3A_413 = tpu.memref_slice %arg3[%dma_wait3A_411, %dma_wait3A_412] : memref<100000x64xf32, #tpu.memory_space<hbm>> -> memref<512x64xf32, #tpu.memory_space<hbm>>
      %dma_wait3A_414 = arith.constant 0 : i32
      %dma_wait3A_415 = arith.constant 0 : i32
      %dma_wait3A_416 = tpu.memref_slice %arg3[%dma_wait3A_414, %dma_wait3A_415] : memref<100000x64xf32, #tpu.memory_space<hbm>> -> memref<512x64xf32, #tpu.memory_space<hbm>>
      tpu.wait_dma2 semaphore(%arg13 : memref<!tpu.dma_semaphore, #tpu.memory_space<semaphore_mem>>) src(%dma_wait3A_416 : memref<512x64xf32, #tpu.memory_space<hbm>>) dst(%arg10 : memref<512x64xf32, #tpu.memory_space<vmem>>)
      %jit3A_417 = arith.constant 8 : i32
      %div3A_418 = arith.divsi %add3A_396, %jit3A_417 : i32
      %sign3A_419 = arith.constant 0 : i32
      %sign3A_420 = arith.cmpi sgt, %add3A_396, %sign3A_419 : i32
      %sign3A_421 = arith.extui %sign3A_420 : i1 to i32
      %sign3A_422 = arith.constant 0 : i32
      %sign3A_423 = arith.cmpi slt, %add3A_396, %sign3A_422 : i32
      %sign3A_424 = arith.extui %sign3A_423 : i1 to i32
      %sign3A_425 = arith.subi %sign3A_421, %sign3A_424 : i32
      %sign3A_426 = arith.constant 0 : i32
      %sign3A_427 = arith.cmpi sgt, %jit3A_417, %sign3A_426 : i32
      %sign3A_428 = arith.extui %sign3A_427 : i1 to i32
      %sign3A_429 = arith.constant 0 : i32
      %sign3A_430 = arith.cmpi slt, %jit3A_417, %sign3A_429 : i32
      %sign3A_431 = arith.extui %sign3A_430 : i1 to i32
      %sign3A_432 = arith.subi %sign3A_428, %sign3A_431 : i32
      %ne3A_433 = arith.cmpi ne, %sign3A_425, %sign3A_432 : i32
      %rem3A_434 = arith.remsi %add3A_396, %jit3A_417 : i32
      %ne3A_435 = arith.constant 0 : i32
      %ne3A_436 = arith.cmpi ne, %rem3A_434, %ne3A_435 : i32
      %and3A_437 = arith.andi %ne3A_433, %ne3A_436 : i1
      %sub3A_438 = arith.constant 1 : i32
      %sub3A_439 = arith.subi %div3A_418, %sub3A_438 : i32
      %select_n3A_440 = arith.select %and3A_437, %sub3A_439, %div3A_418 : i32
      %jit3A_441 = arith.constant 8 : i32
      %eq3A_442 = arith.constant 0 : i32
      %eq3A_443 = arith.cmpi eq, %jit3A_441, %eq3A_442 : i32
      %jit3A_444 = arith.constant 1 : i32
      %select_n3A_445 = arith.select %eq3A_443, %jit3A_444, %jit3A_441 : i32
      %rem3A_446 = arith.remsi %add3A_396, %select_n3A_445 : i32
      %ne3A_447 = arith.constant 0 : i32
      %ne3A_448 = arith.cmpi ne, %rem3A_446, %ne3A_447 : i32
      %lt3A_449 = arith.constant 0 : i32
      %lt3A_450 = arith.cmpi slt, %rem3A_446, %lt3A_449 : i32
      %lt3A_451 = arith.constant 0 : i32
      %lt3A_452 = arith.cmpi slt, %select_n3A_445, %lt3A_451 : i32
      %ne3A_453 = arith.xori %lt3A_450, %lt3A_452 : i1
      %and3A_454 = arith.andi %ne3A_453, %ne3A_448 : i1
      %add3A_455 = arith.addi %rem3A_446, %select_n3A_445 : i32
      %select_n3A_456 = arith.select %and3A_454, %add3A_455, %rem3A_446 : i32
      %mul3A_457 = arith.constant 4096 : i32
      %mul3A_458 = arith.muli %select_n3A_440, %mul3A_457 : i32
      %mul3A_459 = arith.constant 512 : i32
      %mul3A_460 = arith.muli %select_n3A_456, %mul3A_459 : i32
      %add3A_461 = arith.addi %mul3A_458, %mul3A_460 : i32
      %dma_start3A_462 = arith.constant 0 : i32
      %dma_start3A_463 = tpu.memref_slice %arg4[%add3A_461, %dma_start3A_462] : memref<819200x64xf32, #tpu.memory_space<hbm>> -> memref<512x64xf32, #tpu.memory_space<hbm>>
      %dma_start3A_464 = arith.constant 0 : i32
      %dma_start3A_465 = tpu.memref_slice %arg4[%add3A_461, %dma_start3A_464] : memref<819200x64xf32, #tpu.memory_space<hbm>> -> memref<512x64xf32, #tpu.memory_space<hbm>>
      tpu.enqueue_dma source(%arg10 : memref<512x64xf32, #tpu.memory_space<vmem>>) target(%dma_start3A_465 : memref<512x64xf32, #tpu.memory_space<hbm>>) target_semaphore(%arg16 : memref<!tpu.dma_semaphore, #tpu.memory_space<semaphore_mem>>)
    }
    %scan3A_98 = arith.constant 16 : i32
    %add3A_99 = arith.constant 48 : i32
    %add3A_100 = arith.addi %mul3A_2, %add3A_99 : i32
    %add3A_101 = arith.constant 1 : i32
    %add3A_102 = arith.addi %add3A_100, %add3A_101 : i32
    %dma_wait3A_103 = arith.constant 0 : i32
    %dma_wait3A_104 = arith.constant 0 : i32
    %dma_wait3A_105 = tpu.memref_slice %arg2[%dma_wait3A_103, %dma_wait3A_104] : memref<200x4096xi32, #tpu.memory_space<hbm>> -> memref<1x512xi32, #tpu.memory_space<hbm>>
    %dma_wait3A_106 = tpu.memref_squeeze %dma_wait3A_105 : memref<1x512xi32, #tpu.memory_space<hbm>> -> memref<512xi32, #tpu.memory_space<hbm>>
    %dma_wait3A_107 = arith.constant 0 : i32
    %dma_wait3A_108 = tpu.memref_slice %arg2[%dma_wait3A_103, %dma_wait3A_107] : memref<200x4096xi32, #tpu.memory_space<hbm>> -> memref<1x512xi32, #tpu.memory_space<hbm>>
    %dma_wait3A_109 = tpu.memref_squeeze %dma_wait3A_108 : memref<1x512xi32, #tpu.memory_space<hbm>> -> memref<512xi32, #tpu.memory_space<hbm>>
    tpu.wait_dma2 semaphore(%arg18 : memref<!tpu.dma_semaphore, #tpu.memory_space<semaphore_mem>>) src(%dma_wait3A_109 : memref<512xi32, #tpu.memory_space<hbm>>) dst(%arg6 : memref<512xi32, #tpu.memory_space<vmem>>)
    %dma_start3A_110 = arith.constant 0 : i32
    %dma_start3A_111 = arith.constant 0 : i32
    %dma_start3A_112 = tpu.memref_slice %arg3[%dma_start3A_110, %dma_start3A_111] : memref<100000x64xf32, #tpu.memory_space<hbm>> -> memref<100000x64xf32, #tpu.memory_space<hbm>>
    tpu.enqueue_indirect_dma source(%dma_start3A_112 : memref<100000x64xf32, #tpu.memory_space<hbm>>) target(%arg9 : memref<512x64xf32, #tpu.memory_space<vmem>>) offsets(%arg6 : memref<512xi32, #tpu.memory_space<vmem>>) semaphore(%arg12 : memref<!tpu.dma_semaphore, #tpu.memory_space<semaphore_mem>>)
    %add3A_113 = arith.constant 48 : i32
    %add3A_114 = arith.addi %mul3A_2, %add3A_113 : i32
    %dma_wait3A_115 = arith.constant 0 : i32
    %dma_wait3A_116 = arith.constant 0 : i32
    %dma_wait3A_117 = tpu.memref_slice %arg3[%dma_wait3A_115, %dma_wait3A_116] : memref<100000x64xf32, #tpu.memory_space<hbm>> -> memref<512x64xf32, #tpu.memory_space<hbm>>
    %dma_wait3A_118 = arith.constant 0 : i32
    %dma_wait3A_119 = arith.constant 0 : i32
    %dma_wait3A_120 = tpu.memref_slice %arg3[%dma_wait3A_118, %dma_wait3A_119] : memref<100000x64xf32, #tpu.memory_space<hbm>> -> memref<512x64xf32, #tpu.memory_space<hbm>>
    tpu.wait_dma2 semaphore(%arg11 : memref<!tpu.dma_semaphore, #tpu.memory_space<semaphore_mem>>) src(%dma_wait3A_120 : memref<512x64xf32, #tpu.memory_space<hbm>>) dst(%arg8 : memref<512x64xf32, #tpu.memory_space<vmem>>)
    %jit3A_121 = arith.constant 8 : i32
    %div3A_122 = arith.divsi %add3A_114, %jit3A_121 : i32
    %sign3A_123 = arith.constant 0 : i32
    %sign3A_124 = arith.cmpi sgt, %add3A_114, %sign3A_123 : i32
    %sign3A_125 = arith.extui %sign3A_124 : i1 to i32
    %sign3A_126 = arith.constant 0 : i32
    %sign3A_127 = arith.cmpi slt, %add3A_114, %sign3A_126 : i32
    %sign3A_128 = arith.extui %sign3A_127 : i1 to i32
    %sign3A_129 = arith.subi %sign3A_125, %sign3A_128 : i32
    %sign3A_130 = arith.constant 0 : i32
    %sign3A_131 = arith.cmpi sgt, %jit3A_121, %sign3A_130 : i32
    %sign3A_132 = arith.extui %sign3A_131 : i1 to i32
    %sign3A_133 = arith.constant 0 : i32
    %sign3A_134 = arith.cmpi slt, %jit3A_121, %sign3A_133 : i32
    %sign3A_135 = arith.extui %sign3A_134 : i1 to i32
    %sign3A_136 = arith.subi %sign3A_132, %sign3A_135 : i32
    %ne3A_137 = arith.cmpi ne, %sign3A_129, %sign3A_136 : i32
    %rem3A_138 = arith.remsi %add3A_114, %jit3A_121 : i32
    %ne3A_139 = arith.constant 0 : i32
    %ne3A_140 = arith.cmpi ne, %rem3A_138, %ne3A_139 : i32
    %and3A_141 = arith.andi %ne3A_137, %ne3A_140 : i1
    %sub3A_142 = arith.constant 1 : i32
    %sub3A_143 = arith.subi %div3A_122, %sub3A_142 : i32
    %select_n3A_144 = arith.select %and3A_141, %sub3A_143, %div3A_122 : i32
    %jit3A_145 = arith.constant 8 : i32
    %eq3A_146 = arith.constant 0 : i32
    %eq3A_147 = arith.cmpi eq, %jit3A_145, %eq3A_146 : i32
    %jit3A_148 = arith.constant 1 : i32
    %select_n3A_149 = arith.select %eq3A_147, %jit3A_148, %jit3A_145 : i32
    %rem3A_150 = arith.remsi %add3A_114, %select_n3A_149 : i32
    %ne3A_151 = arith.constant 0 : i32
    %ne3A_152 = arith.cmpi ne, %rem3A_150, %ne3A_151 : i32
    %lt3A_153 = arith.constant 0 : i32
    %lt3A_154 = arith.cmpi slt, %rem3A_150, %lt3A_153 : i32
    %lt3A_155 = arith.constant 0 : i32
    %lt3A_156 = arith.cmpi slt, %select_n3A_149, %lt3A_155 : i32
    %ne3A_157 = arith.xori %lt3A_154, %lt3A_156 : i1
    %and3A_158 = arith.andi %ne3A_157, %ne3A_152 : i1
    %add3A_159 = arith.addi %rem3A_150, %select_n3A_149 : i32
    %select_n3A_160 = arith.select %and3A_158, %add3A_159, %rem3A_150 : i32
    %mul3A_161 = arith.constant 4096 : i32
    %mul3A_162 = arith.muli %select_n3A_144, %mul3A_161 : i32
    %mul3A_163 = arith.constant 512 : i32
    %mul3A_164 = arith.muli %select_n3A_160, %mul3A_163 : i32
    %add3A_165 = arith.addi %mul3A_162, %mul3A_164 : i32
    %dma_start3A_166 = arith.constant 0 : i32
    %dma_start3A_167 = tpu.memref_slice %arg4[%add3A_165, %dma_start3A_166] : memref<819200x64xf32, #tpu.memory_space<hbm>> -> memref<512x64xf32, #tpu.memory_space<hbm>>
    %dma_start3A_168 = arith.constant 0 : i32
    %dma_start3A_169 = tpu.memref_slice %arg4[%add3A_165, %dma_start3A_168] : memref<819200x64xf32, #tpu.memory_space<hbm>> -> memref<512x64xf32, #tpu.memory_space<hbm>>
    tpu.enqueue_dma source(%arg8 : memref<512x64xf32, #tpu.memory_space<vmem>>) target(%dma_start3A_169 : memref<512x64xf32, #tpu.memory_space<hbm>>) target_semaphore(%arg14 : memref<!tpu.dma_semaphore, #tpu.memory_space<semaphore_mem>>)
    %add3A_170 = arith.constant 49 : i32
    %add3A_171 = arith.addi %mul3A_2, %add3A_170 : i32
    %dma_wait3A_172 = arith.constant 0 : i32
    %dma_wait3A_173 = arith.constant 0 : i32
    %dma_wait3A_174 = tpu.memref_slice %arg3[%dma_wait3A_172, %dma_wait3A_173] : memref<100000x64xf32, #tpu.memory_space<hbm>> -> memref<512x64xf32, #tpu.memory_space<hbm>>
    %dma_wait3A_175 = arith.constant 0 : i32
    %dma_wait3A_176 = arith.constant 0 : i32
    %dma_wait3A_177 = tpu.memref_slice %arg3[%dma_wait3A_175, %dma_wait3A_176] : memref<100000x64xf32, #tpu.memory_space<hbm>> -> memref<512x64xf32, #tpu.memory_space<hbm>>
    tpu.wait_dma2 semaphore(%arg12 : memref<!tpu.dma_semaphore, #tpu.memory_space<semaphore_mem>>) src(%dma_wait3A_177 : memref<512x64xf32, #tpu.memory_space<hbm>>) dst(%arg9 : memref<512x64xf32, #tpu.memory_space<vmem>>)
    %jit3A_178 = arith.constant 8 : i32
    %div3A_179 = arith.divsi %add3A_171, %jit3A_178 : i32
    %sign3A_180 = arith.constant 0 : i32
    %sign3A_181 = arith.cmpi sgt, %add3A_171, %sign3A_180 : i32
    %sign3A_182 = arith.extui %sign3A_181 : i1 to i32
    %sign3A_183 = arith.constant 0 : i32
    %sign3A_184 = arith.cmpi slt, %add3A_171, %sign3A_183 : i32
    %sign3A_185 = arith.extui %sign3A_184 : i1 to i32
    %sign3A_186 = arith.subi %sign3A_182, %sign3A_185 : i32
    %sign3A_187 = arith.constant 0 : i32
    %sign3A_188 = arith.cmpi sgt, %jit3A_178, %sign3A_187 : i32
    %sign3A_189 = arith.extui %sign3A_188 : i1 to i32
    %sign3A_190 = arith.constant 0 : i32
    %sign3A_191 = arith.cmpi slt, %jit3A_178, %sign3A_190 : i32
    %sign3A_192 = arith.extui %sign3A_191 : i1 to i32
    %sign3A_193 = arith.subi %sign3A_189, %sign3A_192 : i32
    %ne3A_194 = arith.cmpi ne, %sign3A_186, %sign3A_193 : i32
    %rem3A_195 = arith.remsi %add3A_171, %jit3A_178 : i32
    %ne3A_196 = arith.constant 0 : i32
    %ne3A_197 = arith.cmpi ne, %rem3A_195, %ne3A_196 : i32
    %and3A_198 = arith.andi %ne3A_194, %ne3A_197 : i1
    %sub3A_199 = arith.constant 1 : i32
    %sub3A_200 = arith.subi %div3A_179, %sub3A_199 : i32
    %select_n3A_201 = arith.select %and3A_198, %sub3A_200, %div3A_179 : i32
    %jit3A_202 = arith.constant 8 : i32
    %eq3A_203 = arith.constant 0 : i32
    %eq3A_204 = arith.cmpi eq, %jit3A_202, %eq3A_203 : i32
    %jit3A_205 = arith.constant 1 : i32
    %select_n3A_206 = arith.select %eq3A_204, %jit3A_205, %jit3A_202 : i32
    %rem3A_207 = arith.remsi %add3A_171, %select_n3A_206 : i32
    %ne3A_208 = arith.constant 0 : i32
    %ne3A_209 = arith.cmpi ne, %rem3A_207, %ne3A_208 : i32
    %lt3A_210 = arith.constant 0 : i32
    %lt3A_211 = arith.cmpi slt, %rem3A_207, %lt3A_210 : i32
    %lt3A_212 = arith.constant 0 : i32
    %lt3A_213 = arith.cmpi slt, %select_n3A_206, %lt3A_212 : i32
    %ne3A_214 = arith.xori %lt3A_211, %lt3A_213 : i1
    %and3A_215 = arith.andi %ne3A_214, %ne3A_209 : i1
    %add3A_216 = arith.addi %rem3A_207, %select_n3A_206 : i32
    %select_n3A_217 = arith.select %and3A_215, %add3A_216, %rem3A_207 : i32
    %mul3A_218 = arith.constant 4096 : i32
    %mul3A_219 = arith.muli %select_n3A_201, %mul3A_218 : i32
    %mul3A_220 = arith.constant 512 : i32
    %mul3A_221 = arith.muli %select_n3A_217, %mul3A_220 : i32
    %add3A_222 = arith.addi %mul3A_219, %mul3A_221 : i32
    %dma_start3A_223 = arith.constant 0 : i32
    %dma_start3A_224 = tpu.memref_slice %arg4[%add3A_222, %dma_start3A_223] : memref<819200x64xf32, #tpu.memory_space<hbm>> -> memref<512x64xf32, #tpu.memory_space<hbm>>
    %dma_start3A_225 = arith.constant 0 : i32
    %dma_start3A_226 = tpu.memref_slice %arg4[%add3A_222, %dma_start3A_225] : memref<819200x64xf32, #tpu.memory_space<hbm>> -> memref<512x64xf32, #tpu.memory_space<hbm>>
    tpu.enqueue_dma source(%arg9 : memref<512x64xf32, #tpu.memory_space<vmem>>) target(%dma_start3A_226 : memref<512x64xf32, #tpu.memory_space<hbm>>) target_semaphore(%arg15 : memref<!tpu.dma_semaphore, #tpu.memory_space<semaphore_mem>>)
    %dma_wait3A_227 = arith.constant 0 : i32
    %dma_wait3A_228 = arith.constant 0 : i32
    %dma_wait3A_229 = tpu.memref_slice %arg4[%dma_wait3A_227, %dma_wait3A_228] : memref<819200x64xf32, #tpu.memory_space<hbm>> -> memref<512x64xf32, #tpu.memory_space<hbm>>
    %dma_wait3A_230 = arith.constant 0 : i32
    %dma_wait3A_231 = arith.constant 0 : i32
    %dma_wait3A_232 = tpu.memref_slice %arg4[%dma_wait3A_230, %dma_wait3A_231] : memref<819200x64xf32, #tpu.memory_space<hbm>> -> memref<512x64xf32, #tpu.memory_space<hbm>>
    tpu.wait_dma2 semaphore(%arg14 : memref<!tpu.dma_semaphore, #tpu.memory_space<semaphore_mem>>) src(%arg8 : memref<512x64xf32, #tpu.memory_space<vmem>>) dst(%dma_wait3A_232 : memref<512x64xf32, #tpu.memory_space<hbm>>)
    %dma_wait3A_233 = arith.constant 0 : i32
    %dma_wait3A_234 = arith.constant 0 : i32
    %dma_wait3A_235 = tpu.memref_slice %arg4[%dma_wait3A_233, %dma_wait3A_234] : memref<819200x64xf32, #tpu.memory_space<hbm>> -> memref<512x64xf32, #tpu.memory_space<hbm>>
    %dma_wait3A_236 = arith.constant 0 : i32
    %dma_wait3A_237 = arith.constant 0 : i32
    %dma_wait3A_238 = tpu.memref_slice %arg4[%dma_wait3A_236, %dma_wait3A_237] : memref<819200x64xf32, #tpu.memory_space<hbm>> -> memref<512x64xf32, #tpu.memory_space<hbm>>
    tpu.wait_dma2 semaphore(%arg15 : memref<!tpu.dma_semaphore, #tpu.memory_space<semaphore_mem>>) src(%arg9 : memref<512x64xf32, #tpu.memory_space<vmem>>) dst(%dma_wait3A_238 : memref<512x64xf32, #tpu.memory_space<hbm>>)
    %dma_wait3A_239 = arith.constant 0 : i32
    %dma_wait3A_240 = arith.constant 0 : i32
    %dma_wait3A_241 = tpu.memref_slice %arg4[%dma_wait3A_239, %dma_wait3A_240] : memref<819200x64xf32, #tpu.memory_space<hbm>> -> memref<512x64xf32, #tpu.memory_space<hbm>>
    %dma_wait3A_242 = arith.constant 0 : i32
    %dma_wait3A_243 = arith.constant 0 : i32
    %dma_wait3A_244 = tpu.memref_slice %arg4[%dma_wait3A_242, %dma_wait3A_243] : memref<819200x64xf32, #tpu.memory_space<hbm>> -> memref<512x64xf32, #tpu.memory_space<hbm>>
    tpu.wait_dma2 semaphore(%arg16 : memref<!tpu.dma_semaphore, #tpu.memory_space<semaphore_mem>>) src(%arg10 : memref<512x64xf32, #tpu.memory_space<vmem>>) dst(%dma_wait3A_244 : memref<512x64xf32, #tpu.memory_space<hbm>>)
    return
  }
}

module attributes {stable_mosaic.version = 14 : i64} {
  func.func @_addpos_body(%arg0: i32, %arg1: memref<2048x128xf32, #tpu.memory_space<vmem>>, %arg2: memref<200x64xf32, #tpu.memory_space<vmem>>, %arg3: memref<256x256xbf16, #tpu.memory_space<vmem>>, %arg4: memref<1x64x4096xf32, #tpu.memory_space<vmem>>) attributes {dimension_semantics = [#tpu.dimension_semantics<arbitrary>], iteration_bounds = array<i64: 200>, scalar_prefetch = 0 : i64, scratch_operands = 0 : i64, tpu.core_type = #tpu.core_type<tc>, window_params = [{transform_indices = @transform_0, window_bounds = array<i64: 2048, 128>}, {pipeline_mode = #tpu.pipeline_mode<synchronous>, transform_indices = @transform_1, window_bounds = array<i64: 200, 64>}, {pipeline_mode = #tpu.pipeline_mode<synchronous>, transform_indices = @transform_2, window_bounds = array<i64: 256, 256>}, {transform_indices = @transform_3, window_bounds = array<i64: 1, 64, 4096>}]} {
    %get3A = arith.index_cast %arg0 : i32 to index
    %get3A_0 = arith.constant 0 : index
    %get3A_1 = vector.load %arg2[%get3A, %get3A_0] : memref<200x64xf32, #tpu.memory_space<vmem>>, vector<1x64xf32>
    %get3A_2 = vector.shape_cast %get3A_1 : vector<1x64xf32> to vector<64xf32>
    %get3A_3 = arith.constant 0 : index
    %get3A_4 = arith.constant 0 : index
    %get3A_5 = vector.load %arg3[%get3A_3, %get3A_4] : memref<256x256xbf16, #tpu.memory_space<vmem>>, vector<256x256xbf16>
    %get3A_6 = arith.constant 0 : index
    %get3A_7 = arith.constant 0 : index
    %get3A_8 = vector.load %arg1[%get3A_6, %get3A_7] : memref<2048x128xf32, #tpu.memory_space<vmem>>, vector<256x128xf32>
    %convert_element_type3A = arith.truncf %get3A_8 : vector<256x128xf32> to vector<256x128xbf16>
    %convert_element_type3A_9 = arith.extf %convert_element_type3A : vector<256x128xbf16> to vector<256x128xf32>
    %sub3A = arith.subf %get3A_8, %convert_element_type3A_9 : vector<256x128xf32>
    %convert_element_type3A_10 = arith.truncf %sub3A : vector<256x128xf32> to vector<256x128xbf16>
    %dot_general3A = arith.constant dense<0.000000e+00> : vector<128x256xf32>
    %dot_general3A_11 = tpu.matmul %convert_element_type3A, %get3A_5, %dot_general3A {dimension_numbers = #tpu.dot_dimension_numbers<[0], [0], [1], [1], [0, 1, 1, 1], [], []>, transpose_lhs_hint = false} : vector<256x128xbf16>, vector<256x256xbf16>, vector<128x256xf32> -> vector<128x256xf32>
    %dot_general3A_12 = arith.constant dense<0.000000e+00> : vector<128x256xf32>
    %dot_general3A_13 = tpu.matmul %convert_element_type3A_10, %get3A_5, %dot_general3A_12 {dimension_numbers = #tpu.dot_dimension_numbers<[0], [0], [1], [1], [0, 1, 1, 1], [], []>, transpose_lhs_hint = false} : vector<256x128xbf16>, vector<256x256xbf16>, vector<128x256xf32> -> vector<128x256xf32>
    %add3A = arith.addf %dot_general3A_11, %dot_general3A_13 : vector<128x256xf32>
    %slice3A = vector.extract_strided_slice %add3A {offsets = [0, 0], sizes = [64, 256], strides = [1, 1]} : vector<128x256xf32> to vector<64x256xf32>
    %broadcast_in_dim3A = vector.shape_cast %get3A_2 : vector<64xf32> to vector<64x1xf32>
    %add3A_14 = vector.broadcast %broadcast_in_dim3A : vector<64x1xf32> to vector<64x256xf32>
    %add3A_15 = arith.addf %slice3A, %add3A_14 : vector<64x256xf32>
    %slice3A_16 = vector.extract_strided_slice %add3A {offsets = [64, 0], sizes = [64, 256], strides = [1, 1]} : vector<128x256xf32> to vector<64x256xf32>
    %broadcast_in_dim3A_17 = vector.shape_cast %get3A_2 : vector<64xf32> to vector<64x1xf32>
    %add3A_18 = vector.broadcast %broadcast_in_dim3A_17 : vector<64x1xf32> to vector<64x256xf32>
    %add3A_19 = arith.addf %slice3A_16, %add3A_18 : vector<64x256xf32>
    %concatenate3A = tpu.concatenate %add3A_15, %add3A_19 in 1 : vector<64x256xf32>, vector<64x256xf32> -> vector<64x512xf32>
    %swap3A = arith.constant 0 : index
    %swap3A_20 = arith.constant 0 : index
    %swap3A_21 = arith.constant 0 : index
    %swap3A_22 = vector.load %arg4[%swap3A, %swap3A_20, %swap3A_21] : memref<1x64x4096xf32, #tpu.memory_space<vmem>>, vector<1x64x512xf32>
    %swap3A_23 = vector.shape_cast %swap3A_22 : vector<1x64x512xf32> to vector<64x512xf32>
    %swap3A_24 = vector.shape_cast %concatenate3A : vector<64x512xf32> to vector<1x64x512xf32>
    tpu.vector_store %arg4[%swap3A, %swap3A_20, %swap3A_21], %swap3A_24 {strides = array<i32>} : memref<1x64x4096xf32, #tpu.memory_space<vmem>>, vector<1x64x512xf32>,
    %get3A_25 = arith.constant 256 : index
    %get3A_26 = arith.constant 0 : index
    %get3A_27 = vector.load %arg1[%get3A_25, %get3A_26] : memref<2048x128xf32, #tpu.memory_space<vmem>>, vector<256x128xf32>
    %convert_element_type3A_28 = arith.truncf %get3A_27 : vector<256x128xf32> to vector<256x128xbf16>
    %convert_element_type3A_29 = arith.extf %convert_element_type3A_28 : vector<256x128xbf16> to vector<256x128xf32>
    %sub3A_30 = arith.subf %get3A_27, %convert_element_type3A_29 : vector<256x128xf32>
    %convert_element_type3A_31 = arith.truncf %sub3A_30 : vector<256x128xf32> to vector<256x128xbf16>
    %dot_general3A_32 = arith.constant dense<0.000000e+00> : vector<128x256xf32>
    %dot_general3A_33 = tpu.matmul %convert_element_type3A_28, %get3A_5, %dot_general3A_32 {dimension_numbers = #tpu.dot_dimension_numbers<[0], [0], [1], [1], [0, 1, 1, 1], [], []>, transpose_lhs_hint = false} : vector<256x128xbf16>, vector<256x256xbf16>, vector<128x256xf32> -> vector<128x256xf32>
    %dot_general3A_34 = arith.constant dense<0.000000e+00> : vector<128x256xf32>
    %dot_general3A_35 = tpu.matmul %convert_element_type3A_31, %get3A_5, %dot_general3A_34 {dimension_numbers = #tpu.dot_dimension_numbers<[0], [0], [1], [1], [0, 1, 1, 1], [], []>, transpose_lhs_hint = false} : vector<256x128xbf16>, vector<256x256xbf16>, vector<128x256xf32> -> vector<128x256xf32>
    %add3A_36 = arith.addf %dot_general3A_33, %dot_general3A_35 : vector<128x256xf32>
    %slice3A_37 = vector.extract_strided_slice %add3A_36 {offsets = [0, 0], sizes = [64, 256], strides = [1, 1]} : vector<128x256xf32> to vector<64x256xf32>
    %broadcast_in_dim3A_38 = vector.shape_cast %get3A_2 : vector<64xf32> to vector<64x1xf32>
    %add3A_39 = vector.broadcast %broadcast_in_dim3A_38 : vector<64x1xf32> to vector<64x256xf32>
    %add3A_40 = arith.addf %slice3A_37, %add3A_39 : vector<64x256xf32>
    %slice3A_41 = vector.extract_strided_slice %add3A_36 {offsets = [64, 0], sizes = [64, 256], strides = [1, 1]} : vector<128x256xf32> to vector<64x256xf32>
    %broadcast_in_dim3A_42 = vector.shape_cast %get3A_2 : vector<64xf32> to vector<64x1xf32>
    %add3A_43 = vector.broadcast %broadcast_in_dim3A_42 : vector<64x1xf32> to vector<64x256xf32>
    %add3A_44 = arith.addf %slice3A_41, %add3A_43 : vector<64x256xf32>
    %concatenate3A_45 = tpu.concatenate %add3A_40, %add3A_44 in 1 : vector<64x256xf32>, vector<64x256xf32> -> vector<64x512xf32>
    %swap3A_46 = arith.constant 0 : index
    %swap3A_47 = arith.constant 0 : index
    %swap3A_48 = arith.constant 512 : index
    %swap3A_49 = vector.load %arg4[%swap3A_46, %swap3A_47, %swap3A_48] : memref<1x64x4096xf32, #tpu.memory_space<vmem>>, vector<1x64x512xf32>
    %swap3A_50 = vector.shape_cast %swap3A_49 : vector<1x64x512xf32> to vector<64x512xf32>
    %swap3A_51 = vector.shape_cast %concatenate3A_45 : vector<64x512xf32> to vector<1x64x512xf32>
    tpu.vector_store %arg4[%swap3A_46, %swap3A_47, %swap3A_48], %swap3A_51 {strides = array<i32>} : memref<1x64x4096xf32, #tpu.memory_space<vmem>>, vector<1x64x512xf32>,
    %get3A_52 = arith.constant 512 : index
    %get3A_53 = arith.constant 0 : index
    %get3A_54 = vector.load %arg1[%get3A_52, %get3A_53] : memref<2048x128xf32, #tpu.memory_space<vmem>>, vector<256x128xf32>
    %convert_element_type3A_55 = arith.truncf %get3A_54 : vector<256x128xf32> to vector<256x128xbf16>
    %convert_element_type3A_56 = arith.extf %convert_element_type3A_55 : vector<256x128xbf16> to vector<256x128xf32>
    %sub3A_57 = arith.subf %get3A_54, %convert_element_type3A_56 : vector<256x128xf32>
    %convert_element_type3A_58 = arith.truncf %sub3A_57 : vector<256x128xf32> to vector<256x128xbf16>
    %dot_general3A_59 = arith.constant dense<0.000000e+00> : vector<128x256xf32>
    %dot_general3A_60 = tpu.matmul %convert_element_type3A_55, %get3A_5, %dot_general3A_59 {dimension_numbers = #tpu.dot_dimension_numbers<[0], [0], [1], [1], [0, 1, 1, 1], [], []>, transpose_lhs_hint = false} : vector<256x128xbf16>, vector<256x256xbf16>, vector<128x256xf32> -> vector<128x256xf32>
    %dot_general3A_61 = arith.constant dense<0.000000e+00> : vector<128x256xf32>
    %dot_general3A_62 = tpu.matmul %convert_element_type3A_58, %get3A_5, %dot_general3A_61 {dimension_numbers = #tpu.dot_dimension_numbers<[0], [0], [1], [1], [0, 1, 1, 1], [], []>, transpose_lhs_hint = false} : vector<256x128xbf16>, vector<256x256xbf16>, vector<128x256xf32> -> vector<128x256xf32>
    %add3A_63 = arith.addf %dot_general3A_60, %dot_general3A_62 : vector<128x256xf32>
    %slice3A_64 = vector.extract_strided_slice %add3A_63 {offsets = [0, 0], sizes = [64, 256], strides = [1, 1]} : vector<128x256xf32> to vector<64x256xf32>
    %broadcast_in_dim3A_65 = vector.shape_cast %get3A_2 : vector<64xf32> to vector<64x1xf32>
    %add3A_66 = vector.broadcast %broadcast_in_dim3A_65 : vector<64x1xf32> to vector<64x256xf32>
    %add3A_67 = arith.addf %slice3A_64, %add3A_66 : vector<64x256xf32>
    %slice3A_68 = vector.extract_strided_slice %add3A_63 {offsets = [64, 0], sizes = [64, 256], strides = [1, 1]} : vector<128x256xf32> to vector<64x256xf32>
    %broadcast_in_dim3A_69 = vector.shape_cast %get3A_2 : vector<64xf32> to vector<64x1xf32>
    %add3A_70 = vector.broadcast %broadcast_in_dim3A_69 : vector<64x1xf32> to vector<64x256xf32>
    %add3A_71 = arith.addf %slice3A_68, %add3A_70 : vector<64x256xf32>
    %concatenate3A_72 = tpu.concatenate %add3A_67, %add3A_71 in 1 : vector<64x256xf32>, vector<64x256xf32> -> vector<64x512xf32>
    %swap3A_73 = arith.constant 0 : index
    %swap3A_74 = arith.constant 0 : index
    %swap3A_75 = arith.constant 1024 : index
    %swap3A_76 = vector.load %arg4[%swap3A_73, %swap3A_74, %swap3A_75] : memref<1x64x4096xf32, #tpu.memory_space<vmem>>, vector<1x64x512xf32>
    %swap3A_77 = vector.shape_cast %swap3A_76 : vector<1x64x512xf32> to vector<64x512xf32>
    %swap3A_78 = vector.shape_cast %concatenate3A_72 : vector<64x512xf32> to vector<1x64x512xf32>
    tpu.vector_store %arg4[%swap3A_73, %swap3A_74, %swap3A_75], %swap3A_78 {strides = array<i32>} : memref<1x64x4096xf32, #tpu.memory_space<vmem>>, vector<1x64x512xf32>,
    %get3A_79 = arith.constant 768 : index
    %get3A_80 = arith.constant 0 : index
    %get3A_81 = vector.load %arg1[%get3A_79, %get3A_80] : memref<2048x128xf32, #tpu.memory_space<vmem>>, vector<256x128xf32>
    %convert_element_type3A_82 = arith.truncf %get3A_81 : vector<256x128xf32> to vector<256x128xbf16>
    %convert_element_type3A_83 = arith.extf %convert_element_type3A_82 : vector<256x128xbf16> to vector<256x128xf32>
    %sub3A_84 = arith.subf %get3A_81, %convert_element_type3A_83 : vector<256x128xf32>
    %convert_element_type3A_85 = arith.truncf %sub3A_84 : vector<256x128xf32> to vector<256x128xbf16>
    %dot_general3A_86 = arith.constant dense<0.000000e+00> : vector<128x256xf32>
    %dot_general3A_87 = tpu.matmul %convert_element_type3A_82, %get3A_5, %dot_general3A_86 {dimension_numbers = #tpu.dot_dimension_numbers<[0], [0], [1], [1], [0, 1, 1, 1], [], []>, transpose_lhs_hint = false} : vector<256x128xbf16>, vector<256x256xbf16>, vector<128x256xf32> -> vector<128x256xf32>
    %dot_general3A_88 = arith.constant dense<0.000000e+00> : vector<128x256xf32>
    %dot_general3A_89 = tpu.matmul %convert_element_type3A_85, %get3A_5, %dot_general3A_88 {dimension_numbers = #tpu.dot_dimension_numbers<[0], [0], [1], [1], [0, 1, 1, 1], [], []>, transpose_lhs_hint = false} : vector<256x128xbf16>, vector<256x256xbf16>, vector<128x256xf32> -> vector<128x256xf32>
    %add3A_90 = arith.addf %dot_general3A_87, %dot_general3A_89 : vector<128x256xf32>
    %slice3A_91 = vector.extract_strided_slice %add3A_90 {offsets = [0, 0], sizes = [64, 256], strides = [1, 1]} : vector<128x256xf32> to vector<64x256xf32>
    %broadcast_in_dim3A_92 = vector.shape_cast %get3A_2 : vector<64xf32> to vector<64x1xf32>
    %add3A_93 = vector.broadcast %broadcast_in_dim3A_92 : vector<64x1xf32> to vector<64x256xf32>
    %add3A_94 = arith.addf %slice3A_91, %add3A_93 : vector<64x256xf32>
    %slice3A_95 = vector.extract_strided_slice %add3A_90 {offsets = [64, 0], sizes = [64, 256], strides = [1, 1]} : vector<128x256xf32> to vector<64x256xf32>
    %broadcast_in_dim3A_96 = vector.shape_cast %get3A_2 : vector<64xf32> to vector<64x1xf32>
    %add3A_97 = vector.broadcast %broadcast_in_dim3A_96 : vector<64x1xf32> to vector<64x256xf32>
    %add3A_98 = arith.addf %slice3A_95, %add3A_97 : vector<64x256xf32>
    %concatenate3A_99 = tpu.concatenate %add3A_94, %add3A_98 in 1 : vector<64x256xf32>, vector<64x256xf32> -> vector<64x512xf32>
    %swap3A_100 = arith.constant 0 : index
    %swap3A_101 = arith.constant 0 : index
    %swap3A_102 = arith.constant 1536 : index
    %swap3A_103 = vector.load %arg4[%swap3A_100, %swap3A_101, %swap3A_102] : memref<1x64x4096xf32, #tpu.memory_space<vmem>>, vector<1x64x512xf32>
    %swap3A_104 = vector.shape_cast %swap3A_103 : vector<1x64x512xf32> to vector<64x512xf32>
    %swap3A_105 = vector.shape_cast %concatenate3A_99 : vector<64x512xf32> to vector<1x64x512xf32>
    tpu.vector_store %arg4[%swap3A_100, %swap3A_101, %swap3A_102], %swap3A_105 {strides = array<i32>} : memref<1x64x4096xf32, #tpu.memory_space<vmem>>, vector<1x64x512xf32>,
    %get3A_106 = arith.constant 1024 : index
    %get3A_107 = arith.constant 0 : index
    %get3A_108 = vector.load %arg1[%get3A_106, %get3A_107] : memref<2048x128xf32, #tpu.memory_space<vmem>>, vector<256x128xf32>
    %convert_element_type3A_109 = arith.truncf %get3A_108 : vector<256x128xf32> to vector<256x128xbf16>
    %convert_element_type3A_110 = arith.extf %convert_element_type3A_109 : vector<256x128xbf16> to vector<256x128xf32>
    %sub3A_111 = arith.subf %get3A_108, %convert_element_type3A_110 : vector<256x128xf32>
    %convert_element_type3A_112 = arith.truncf %sub3A_111 : vector<256x128xf32> to vector<256x128xbf16>
    %dot_general3A_113 = arith.constant dense<0.000000e+00> : vector<128x256xf32>
    %dot_general3A_114 = tpu.matmul %convert_element_type3A_109, %get3A_5, %dot_general3A_113 {dimension_numbers = #tpu.dot_dimension_numbers<[0], [0], [1], [1], [0, 1, 1, 1], [], []>, transpose_lhs_hint = false} : vector<256x128xbf16>, vector<256x256xbf16>, vector<128x256xf32> -> vector<128x256xf32>
    %dot_general3A_115 = arith.constant dense<0.000000e+00> : vector<128x256xf32>
    %dot_general3A_116 = tpu.matmul %convert_element_type3A_112, %get3A_5, %dot_general3A_115 {dimension_numbers = #tpu.dot_dimension_numbers<[0], [0], [1], [1], [0, 1, 1, 1], [], []>, transpose_lhs_hint = false} : vector<256x128xbf16>, vector<256x256xbf16>, vector<128x256xf32> -> vector<128x256xf32>
    %add3A_117 = arith.addf %dot_general3A_114, %dot_general3A_116 : vector<128x256xf32>
    %slice3A_118 = vector.extract_strided_slice %add3A_117 {offsets = [0, 0], sizes = [64, 256], strides = [1, 1]} : vector<128x256xf32> to vector<64x256xf32>
    %broadcast_in_dim3A_119 = vector.shape_cast %get3A_2 : vector<64xf32> to vector<64x1xf32>
    %add3A_120 = vector.broadcast %broadcast_in_dim3A_119 : vector<64x1xf32> to vector<64x256xf32>
    %add3A_121 = arith.addf %slice3A_118, %add3A_120 : vector<64x256xf32>
    %slice3A_122 = vector.extract_strided_slice %add3A_117 {offsets = [64, 0], sizes = [64, 256], strides = [1, 1]} : vector<128x256xf32> to vector<64x256xf32>
    %broadcast_in_dim3A_123 = vector.shape_cast %get3A_2 : vector<64xf32> to vector<64x1xf32>
    %add3A_124 = vector.broadcast %broadcast_in_dim3A_123 : vector<64x1xf32> to vector<64x256xf32>
    %add3A_125 = arith.addf %slice3A_122, %add3A_124 : vector<64x256xf32>
    %concatenate3A_126 = tpu.concatenate %add3A_121, %add3A_125 in 1 : vector<64x256xf32>, vector<64x256xf32> -> vector<64x512xf32>
    %swap3A_127 = arith.constant 0 : index
    %swap3A_128 = arith.constant 0 : index
    %swap3A_129 = arith.constant 2048 : index
    %swap3A_130 = vector.load %arg4[%swap3A_127, %swap3A_128, %swap3A_129] : memref<1x64x4096xf32, #tpu.memory_space<vmem>>, vector<1x64x512xf32>
    %swap3A_131 = vector.shape_cast %swap3A_130 : vector<1x64x512xf32> to vector<64x512xf32>
    %swap3A_132 = vector.shape_cast %concatenate3A_126 : vector<64x512xf32> to vector<1x64x512xf32>
    tpu.vector_store %arg4[%swap3A_127, %swap3A_128, %swap3A_129], %swap3A_132 {strides = array<i32>} : memref<1x64x4096xf32, #tpu.memory_space<vmem>>, vector<1x64x512xf32>,
    %get3A_133 = arith.constant 1280 : index
    %get3A_134 = arith.constant 0 : index
    %get3A_135 = vector.load %arg1[%get3A_133, %get3A_134] : memref<2048x128xf32, #tpu.memory_space<vmem>>, vector<256x128xf32>
    %convert_element_type3A_136 = arith.truncf %get3A_135 : vector<256x128xf32> to vector<256x128xbf16>
    %convert_element_type3A_137 = arith.extf %convert_element_type3A_136 : vector<256x128xbf16> to vector<256x128xf32>
    %sub3A_138 = arith.subf %get3A_135, %convert_element_type3A_137 : vector<256x128xf32>
    %convert_element_type3A_139 = arith.truncf %sub3A_138 : vector<256x128xf32> to vector<256x128xbf16>
    %dot_general3A_140 = arith.constant dense<0.000000e+00> : vector<128x256xf32>
    %dot_general3A_141 = tpu.matmul %convert_element_type3A_136, %get3A_5, %dot_general3A_140 {dimension_numbers = #tpu.dot_dimension_numbers<[0], [0], [1], [1], [0, 1, 1, 1], [], []>, transpose_lhs_hint = false} : vector<256x128xbf16>, vector<256x256xbf16>, vector<128x256xf32> -> vector<128x256xf32>
    %dot_general3A_142 = arith.constant dense<0.000000e+00> : vector<128x256xf32>
    %dot_general3A_143 = tpu.matmul %convert_element_type3A_139, %get3A_5, %dot_general3A_142 {dimension_numbers = #tpu.dot_dimension_numbers<[0], [0], [1], [1], [0, 1, 1, 1], [], []>, transpose_lhs_hint = false} : vector<256x128xbf16>, vector<256x256xbf16>, vector<128x256xf32> -> vector<128x256xf32>
    %add3A_144 = arith.addf %dot_general3A_141, %dot_general3A_143 : vector<128x256xf32>
    %slice3A_145 = vector.extract_strided_slice %add3A_144 {offsets = [0, 0], sizes = [64, 256], strides = [1, 1]} : vector<128x256xf32> to vector<64x256xf32>
    %broadcast_in_dim3A_146 = vector.shape_cast %get3A_2 : vector<64xf32> to vector<64x1xf32>
    %add3A_147 = vector.broadcast %broadcast_in_dim3A_146 : vector<64x1xf32> to vector<64x256xf32>
    %add3A_148 = arith.addf %slice3A_145, %add3A_147 : vector<64x256xf32>
    %slice3A_149 = vector.extract_strided_slice %add3A_144 {offsets = [64, 0], sizes = [64, 256], strides = [1, 1]} : vector<128x256xf32> to vector<64x256xf32>
    %broadcast_in_dim3A_150 = vector.shape_cast %get3A_2 : vector<64xf32> to vector<64x1xf32>
    %add3A_151 = vector.broadcast %broadcast_in_dim3A_150 : vector<64x1xf32> to vector<64x256xf32>
    %add3A_152 = arith.addf %slice3A_149, %add3A_151 : vector<64x256xf32>
    %concatenate3A_153 = tpu.concatenate %add3A_148, %add3A_152 in 1 : vector<64x256xf32>, vector<64x256xf32> -> vector<64x512xf32>
    %swap3A_154 = arith.constant 0 : index
    %swap3A_155 = arith.constant 0 : index
    %swap3A_156 = arith.constant 2560 : index
    %swap3A_157 = vector.load %arg4[%swap3A_154, %swap3A_155, %swap3A_156] : memref<1x64x4096xf32, #tpu.memory_space<vmem>>, vector<1x64x512xf32>
    %swap3A_158 = vector.shape_cast %swap3A_157 : vector<1x64x512xf32> to vector<64x512xf32>
    %swap3A_159 = vector.shape_cast %concatenate3A_153 : vector<64x512xf32> to vector<1x64x512xf32>
    tpu.vector_store %arg4[%swap3A_154, %swap3A_155, %swap3A_156], %swap3A_159 {strides = array<i32>} : memref<1x64x4096xf32, #tpu.memory_space<vmem>>, vector<1x64x512xf32>,
    %get3A_160 = arith.constant 1536 : index
    %get3A_161 = arith.constant 0 : index
    %get3A_162 = vector.load %arg1[%get3A_160, %get3A_161] : memref<2048x128xf32, #tpu.memory_space<vmem>>, vector<256x128xf32>
    %convert_element_type3A_163 = arith.truncf %get3A_162 : vector<256x128xf32> to vector<256x128xbf16>
    %convert_element_type3A_164 = arith.extf %convert_element_type3A_163 : vector<256x128xbf16> to vector<256x128xf32>
    %sub3A_165 = arith.subf %get3A_162, %convert_element_type3A_164 : vector<256x128xf32>
    %convert_element_type3A_166 = arith.truncf %sub3A_165 : vector<256x128xf32> to vector<256x128xbf16>
    %dot_general3A_167 = arith.constant dense<0.000000e+00> : vector<128x256xf32>
    %dot_general3A_168 = tpu.matmul %convert_element_type3A_163, %get3A_5, %dot_general3A_167 {dimension_numbers = #tpu.dot_dimension_numbers<[0], [0], [1], [1], [0, 1, 1, 1], [], []>, transpose_lhs_hint = false} : vector<256x128xbf16>, vector<256x256xbf16>, vector<128x256xf32> -> vector<128x256xf32>
    %dot_general3A_169 = arith.constant dense<0.000000e+00> : vector<128x256xf32>
    %dot_general3A_170 = tpu.matmul %convert_element_type3A_166, %get3A_5, %dot_general3A_169 {dimension_numbers = #tpu.dot_dimension_numbers<[0], [0], [1], [1], [0, 1, 1, 1], [], []>, transpose_lhs_hint = false} : vector<256x128xbf16>, vector<256x256xbf16>, vector<128x256xf32> -> vector<128x256xf32>
    %add3A_171 = arith.addf %dot_general3A_168, %dot_general3A_170 : vector<128x256xf32>
    %slice3A_172 = vector.extract_strided_slice %add3A_171 {offsets = [0, 0], sizes = [64, 256], strides = [1, 1]} : vector<128x256xf32> to vector<64x256xf32>
    %broadcast_in_dim3A_173 = vector.shape_cast %get3A_2 : vector<64xf32> to vector<64x1xf32>
    %add3A_174 = vector.broadcast %broadcast_in_dim3A_173 : vector<64x1xf32> to vector<64x256xf32>
    %add3A_175 = arith.addf %slice3A_172, %add3A_174 : vector<64x256xf32>
    %slice3A_176 = vector.extract_strided_slice %add3A_171 {offsets = [64, 0], sizes = [64, 256], strides = [1, 1]} : vector<128x256xf32> to vector<64x256xf32>
    %broadcast_in_dim3A_177 = vector.shape_cast %get3A_2 : vector<64xf32> to vector<64x1xf32>
    %add3A_178 = vector.broadcast %broadcast_in_dim3A_177 : vector<64x1xf32> to vector<64x256xf32>
    %add3A_179 = arith.addf %slice3A_176, %add3A_178 : vector<64x256xf32>
    %concatenate3A_180 = tpu.concatenate %add3A_175, %add3A_179 in 1 : vector<64x256xf32>, vector<64x256xf32> -> vector<64x512xf32>
    %swap3A_181 = arith.constant 0 : index
    %swap3A_182 = arith.constant 0 : index
    %swap3A_183 = arith.constant 3072 : index
    %swap3A_184 = vector.load %arg4[%swap3A_181, %swap3A_182, %swap3A_183] : memref<1x64x4096xf32, #tpu.memory_space<vmem>>, vector<1x64x512xf32>
    %swap3A_185 = vector.shape_cast %swap3A_184 : vector<1x64x512xf32> to vector<64x512xf32>
    %swap3A_186 = vector.shape_cast %concatenate3A_180 : vector<64x512xf32> to vector<1x64x512xf32>
    tpu.vector_store %arg4[%swap3A_181, %swap3A_182, %swap3A_183], %swap3A_186 {strides = array<i32>} : memref<1x64x4096xf32, #tpu.memory_space<vmem>>, vector<1x64x512xf32>,
    %get3A_187 = arith.constant 1792 : index
    %get3A_188 = arith.constant 0 : index
    %get3A_189 = vector.load %arg1[%get3A_187, %get3A_188] : memref<2048x128xf32, #tpu.memory_space<vmem>>, vector<256x128xf32>
    %convert_element_type3A_190 = arith.truncf %get3A_189 : vector<256x128xf32> to vector<256x128xbf16>
    %convert_element_type3A_191 = arith.extf %convert_element_type3A_190 : vector<256x128xbf16> to vector<256x128xf32>
    %sub3A_192 = arith.subf %get3A_189, %convert_element_type3A_191 : vector<256x128xf32>
    %convert_element_type3A_193 = arith.truncf %sub3A_192 : vector<256x128xf32> to vector<256x128xbf16>
    %dot_general3A_194 = arith.constant dense<0.000000e+00> : vector<128x256xf32>
    %dot_general3A_195 = tpu.matmul %convert_element_type3A_190, %get3A_5, %dot_general3A_194 {dimension_numbers = #tpu.dot_dimension_numbers<[0], [0], [1], [1], [0, 1, 1, 1], [], []>, transpose_lhs_hint = false} : vector<256x128xbf16>, vector<256x256xbf16>, vector<128x256xf32> -> vector<128x256xf32>
    %dot_general3A_196 = arith.constant dense<0.000000e+00> : vector<128x256xf32>
    %dot_general3A_197 = tpu.matmul %convert_element_type3A_193, %get3A_5, %dot_general3A_196 {dimension_numbers = #tpu.dot_dimension_numbers<[0], [0], [1], [1], [0, 1, 1, 1], [], []>, transpose_lhs_hint = false} : vector<256x128xbf16>, vector<256x256xbf16>, vector<128x256xf32> -> vector<128x256xf32>
    %add3A_198 = arith.addf %dot_general3A_195, %dot_general3A_197 : vector<128x256xf32>
    %slice3A_199 = vector.extract_strided_slice %add3A_198 {offsets = [0, 0], sizes = [64, 256], strides = [1, 1]} : vector<128x256xf32> to vector<64x256xf32>
    %broadcast_in_dim3A_200 = vector.shape_cast %get3A_2 : vector<64xf32> to vector<64x1xf32>
    %add3A_201 = vector.broadcast %broadcast_in_dim3A_200 : vector<64x1xf32> to vector<64x256xf32>
    %add3A_202 = arith.addf %slice3A_199, %add3A_201 : vector<64x256xf32>
    %slice3A_203 = vector.extract_strided_slice %add3A_198 {offsets = [64, 0], sizes = [64, 256], strides = [1, 1]} : vector<128x256xf32> to vector<64x256xf32>
    %broadcast_in_dim3A_204 = vector.shape_cast %get3A_2 : vector<64xf32> to vector<64x1xf32>
    %add3A_205 = vector.broadcast %broadcast_in_dim3A_204 : vector<64x1xf32> to vector<64x256xf32>
    %add3A_206 = arith.addf %slice3A_203, %add3A_205 : vector<64x256xf32>
    %concatenate3A_207 = tpu.concatenate %add3A_202, %add3A_206 in 1 : vector<64x256xf32>, vector<64x256xf32> -> vector<64x512xf32>
    %swap3A_208 = arith.constant 0 : index
    %swap3A_209 = arith.constant 0 : index
    %swap3A_210 = arith.constant 3584 : index
    %swap3A_211 = vector.load %arg4[%swap3A_208, %swap3A_209, %swap3A_210] : memref<1x64x4096xf32, #tpu.memory_space<vmem>>, vector<1x64x512xf32>
    %swap3A_212 = vector.shape_cast %swap3A_211 : vector<1x64x512xf32> to vector<64x512xf32>
    %swap3A_213 = vector.shape_cast %concatenate3A_207 : vector<64x512xf32> to vector<1x64x512xf32>
    tpu.vector_store %arg4[%swap3A_208, %swap3A_209, %swap3A_210], %swap3A_213 {strides = array<i32>} : memref<1x64x4096xf32, #tpu.memory_space<vmem>>, vector<1x64x512xf32>,
    return
  }
  func.func @transform_0(%arg0: i32) -> (i32, i32) {
    %c0_i32 = arith.constant 0 : i32
    %c0_i32_0 = arith.constant 0 : i32
    return %arg0, %c0_i32 : i32, i32
  }
  func.func @transform_1(%arg0: i32) -> (i32, i32) {
    %c0_i32 = arith.constant 0 : i32
    %c0_i32_0 = arith.constant 0 : i32
    %c0_i32_1 = arith.constant 0 : i32
    return %c0_i32, %c0_i32_0 : i32, i32
  }
  func.func @transform_2(%arg0: i32) -> (i32, i32) {
    %c0_i32 = arith.constant 0 : i32
    %c0_i32_0 = arith.constant 0 : i32
    %c0_i32_1 = arith.constant 0 : i32
    return %c0_i32, %c0_i32_0 : i32, i32
  }
  func.func @transform_3(%arg0: i32) -> (i32, i32, i32) {
    %c0_i32 = arith.constant 0 : i32
    %c0_i32_0 = arith.constant 0 : i32
    %c0_i32_1 = arith.constant 0 : i32
    return %arg0, %c0_i32, %c0_i32_0 : i32, i32, i32
  }
}

</mosaic_0001>

<sc_bundles>
// kernel: kernel.4.cloned.1.call-start
scs
__scs_entry_jumppad:
0x0: {  	(pc) =	sbr.rel $0x88, $3  }
0x1: {  	(tag) =	ssettag $0x0;
	lr =	simm.s32 $0x1  }
0x2: {  	[smem:$0x3F9E] =	sst lr;
	_ =	strace $0xD0000000  }
0x3: {  	_ = 	snop  }
0x4: {  	_ = 	snop  }
0x5: {  	_ = 	snop  }
0x6: {  	_ = 	snop  }
0x7: {  	_ = 	snop  }
__scs_overlays_trampoline_lowered:
0x8: {  	[smem:$0x3FAD] =	sst s0  }
0x9: {  	[smem:$0x3FAE] =	sst s1  }
0xa: {  	[smem:$0x3FAF] =	sst s2  }
0xb: {  	[smem:$0x3FB0] =	sst s3  }
0xc: {  	[smem:$0x3FB1] =	sst s4  }
0xd: {  	[smem:$0x3FB2] =	sst s5  }
0xe: {  	[smem:$0x3FB3] =	sst s6  }
0xf: {  	[smem:$0x3FB4] =	sst s7  }
0x10: {  	[smem:$0x3FB5] =	sst s8  }
0x11: {  	[smem:$0x3FB6] =	sst s9;
	s0 =	simm.s32 @!p0 $0x0  }
0x12: {  	s1 =	sld [smem:$0x3F9C];
	s0 =	simm.s32 @p0 $0x1  }
0x13: {  	[smem:$0x3FB7] =	sst s0;
	s0 =	simm.s32 @!p1 $0x0  }
0x14: {  	s2 =	sld [smem:$0x3F9B];
	s0 =	simm.s32 @p1 $0x1  }
0x15: {  	[smem:$0x3FB8] =	sst s0;
	s0 =	simm.s32 @!p2 $0x0  }
0x16: {  	s3 =	sld [smem:$0x3FDB];
	s0 =	simm.s32 @p2 $0x1  }
0x17: {  	s4 =	simm.s32 $0x1BF5;
	[smem:$0x3FBA] =	sst s0  }
0x18: {  	s0 =	sld [smem:$0x3F9D];
	_ =	swait.ge [sflag:s4], $0x0  }
0x19: {  	s7 =	sld [smem:$0x3F9E]  }
0x1a: {  	s8 =	sadd.s32 $0xFFFFE003, lr  }
0x1b: {  	s9 =	sadd.s32 $0xFFFFFEF7, lr;
	s5 =	simm.s32 $0xFFFFFFFF;
	p2 =	slt.u32 s8, $0xFFFFF086  }
0x1c: {  	p1 =	slt.u32 s9, $0xF7A;
	s5 =	simm.s32 @!p2 $0x0  }
0x1d: {  	s5 =	simm.s32 @p1 $0x1;
	p0 =	seq.s32 s7, s2  }
0x1e: {  	s7 =	smul.u32 @!p0 $0xF7A, s2;
	p2 =	seq.s32 @!p0 s5, $0x0  }
0x1f: {  	s9 =	smul.u32 $0xF7A, s1;
	s8 =	simm.s32 @!p0 $0x1BF5;
	p2 =	por !p2, p0  }
0x20: {  	[sflag:s8] =	ssyncset.s32 @!p0 $0xFFFFF086;
	s6 =	sadd.s32 @!p0 s3, s7;
	s7 =	simm.s32 @!p0 $0x108  }
0x21: {  	s3 =	sadd.s32 s3, s9;
	s6 =	sadd.s32 @!p0 $0x88, s6;
	s7 =	simm.s32 @p2 $0x1082  }
0x22: {  	[simem:s7], [sflag:s8] =	dma.local @!p0 [hbm:s6], $0xF7A  }
0x23: {  	s9 =	sor.u32 $0xD0000000, s2;
	s6 =	simm.s32 $0x108;
	_ =	swait.ge @!p0 [sflag:s8], $0x0  }
0x24: {  	s3 =	sadd.s32 $0x88, s3;
	s6 =	simm.s32 @!p1 $0x1082;
	[sflag:s4] =	ssyncset.s32 $0xFFFFF086  }
0x25: {  	[simem:s6], [sflag:s4] =	dma.local [hbm:s3], $0xF7A  }
0x26: {  	[smem:$0x3F9E] =	sst s1;
	(tag) =	ssettag s2;
	_ =	strace s9  }
0x27: {  	s1 =	sld [smem:$0x3FAE]  }
0x28: {  	s2 =	sld [smem:$0x3FAF]  }
0x29: {  	s4 =	sld [smem:$0x3FB1]  }
0x2a: {  	p0 =	seq.s32 s5, $0x0;
	s5 =	sld [smem:$0x3FB2]  }
0x2b: {  	s6 =	sld [smem:$0x3FB3]  }
0x2c: {  	s7 =	sld [smem:$0x3FB4]  }
0x2d: {  	s3 =	simm.s32 $0x108;
	s8 =	sld [smem:$0x3FB5]  }
0x2e: {  	s3 =	simm.s32 @!p0 $0x1082;
	s9 =	sld [smem:$0x3FB6]  }
0x2f: {  	lr =	sadd.s32 s0, s3;
	s0 =	sld [smem:$0x3FAD]  }
0x30: {  	s3 =	sld [smem:$0x3FB0]  }
0x31: {  	[smem:$0x3FB9] =	sst s10  }
0x32: {  	s10 =	sld [smem:$0x3FB7];
	_ =	sdelay $0x3  }
0x33: {  	p0 =	seq.s32 s10, $0x1;
	s10 =	sld [smem:$0x3FB9];
	_ =	sdelay $0x3  }
0x34: {  	[smem:$0x3FB9] =	sst s10  }
0x35: {  	s10 =	sld [smem:$0x3FB8];
	_ =	sdelay $0x3  }
0x36: {  	p1 =	seq.s32 s10, $0x1;
	s10 =	sld [smem:$0x3FB9];
	_ =	sdelay $0x3  }
0x37: {  	[smem:$0x3FB9] =	sst s10  }
0x38: {  	s10 =	sld [smem:$0x3FBA]  }
0x39: {  	_ = 	snop;
	(pc) =	sbr.ind lr, $3  }
0x3a: {  	_ = 	snop  }
0x3b: {  	_ = 	snop  }
0x3c: {  	p2 =	seq.s32 s10, $0x1;
	s10 =	sld [smem:$0x3FB9]  }
0x3d: {  	_ =	shalt  }
0x3e: {  	_ =	shalt  }
0x3f: {  	_ =	shalt  }
0x40: {  	_ =	shalt  }
0x41: {  	_ =	shalt  }
0x42: {  	_ =	shalt  }
0x43: {  	_ =	shalt  }
0x44: {  	_ =	shalt  }
0x45: {  	_ =	shalt  }
0x46: {  	_ =	shalt  }
0x47: {  	_ =	shalt  }
0x48: {  	_ =	shalt  }
0x49: {  	_ =	shalt  }
0x4a: {  	_ =	shalt  }
0x4b: {  	_ =	shalt  }
0x4c: {  	_ =	shalt  }
0x4d: {  	_ =	shalt  }
0x4e: {  	_ =	shalt  }
0x4f: {  	_ =	shalt  }
0x50: {  	_ =	shalt  }
0x51: {  	_ =	shalt  }
0x52: {  	_ =	shalt  }
0x53: {  	_ =	shalt  }
0x54: {  	_ =	shalt  }
0x55: {  	_ =	shalt  }
0x56: {  	_ =	shalt  }
0x57: {  	_ =	shalt  }
0x58: {  	_ =	shalt  }
0x59: {  	_ =	shalt  }
0x5a: {  	_ =	shalt  }
0x5b: {  	_ =	shalt  }
0x5c: {  	_ =	shalt  }
0x5d: {  	_ =	shalt  }
0x5e: {  	_ =	shalt  }
0x5f: {  	_ =	shalt  }
0x60: {  	_ =	shalt  }
0x61: {  	_ =	shalt  }
0x62: {  	_ =	shalt  }
0x63: {  	_ =	shalt  }
0x64: {  	_ =	shalt  }
0x65: {  	_ =	shalt  }
0x66: {  	_ =	shalt  }
0x67: {  	_ =	shalt  }
0x68: {  	_ =	shalt  }
0x69: {  	_ =	shalt  }
0x6a: {  	_ =	shalt  }
0x6b: {  	_ =	shalt  }
0x6c: {  	_ =	shalt  }
0x6d: {  	_ =	shalt  }
0x6e: {  	_ =	shalt  }
0x6f: {  	_ =	shalt  }
0x70: {  	_ =	shalt  }
0x71: {  	_ =	shalt  }
0x72: {  	_ =	shalt  }
0x73: {  	_ =	shalt  }
0x74: {  	_ =	shalt  }
0x75: {  	_ =	shalt  }
0x76: {  	_ =	shalt  }
0x77: {  	_ =	shalt  }
0x78: {  	_ =	shalt  }
0x79: {  	_ =	shalt  }
0x7a: {  	_ =	shalt  }
0x7b: {  	_ =	shalt  }
0x7c: {  	_ =	shalt  }
0x7d: {  	_ =	shalt  }
0x7e: {  	_ =	shalt  }
0x7f: {  	_ =	shalt  }
0x80: {  	_ =	shalt  }
0x81: {  	_ =	shalt  }
0x82: {  	_ =	shalt  }
0x83: {  	_ =	shalt  }
0x84: {  	_ =	shalt  }
0x85: {  	_ =	shalt  }
0x86: {  	_ =	shalt  }
0x87: {  	_ =	shalt  }
.Lfunc_end0:
.L_simem_size_0:
called_computation_lowered:
.L_overlay_start_0:
0x88: {  	s2 =	sld [smem:$0x3FD9]  }
0x89: {  	s3 =	sld [smem:$0x3FFE];
	_ =	sdelay $0x1  }
0x8a: {  	s1 =	srdreg.scid  }
0x8b: {  	s0 =	sand.u32 $0x1, s1  }
0x8c: {  	s16 =	sshll.u32 s0, $0xA;
	s2 =	sadd.s32 s3, s2  }
0x8d: {  	s2 =	sadd.s32 s2, s16  }
0x8e: {  	[smem:$0x3FC5] =	sst s2  }
0x8f: {  	_ = 	snop  }
0x90: {  	(tm) =	ssettm $0x1  }
0x91: {  	s17 =	sld [smem:$0x3FFB];
	_ =	sdelay $0x3  }
0x92: {  	_ =	strace s17  }
0x93: {  	s2 =	sld [smem:$0x3FFC];
	_ =	sdelay $0x3  }
0x94: {  	_ =	strace s2  }
0x95: {  	s2 =	sld [smem:$0x3FFD];
	_ =	sdelay $0x3  }
0x96: {  	_ =	strace s2  }
0x97: {  	_ =	strace $0x8FFFFFFF  }
0x98: {  	s18 =	sld [smem:$0x3FDB];
	_ =	sdelay $0x1  }
0x99: {  	s19 =	simm.s32 $_scs_section_size  }
0x9a: {  	s4 =	simm.s32 $_size__tile_overlayer_lowered;
	s5 =	simm.s32 $_tile_overlayer_lowered  }
0x9b: {  	s22 =	simm.s32 $0x1BFF;
	s21 =	sshll.u32 s5, $0x1;
	s2 =	sadd.s32 s19, s18  }
0x9c: {  	s6 =	simm.s32 $0x0;
	s20 =	sshll.u32 s4, $0x1;
	s4 =	sadd.s32 s21, s2  }
0x9d: {  	[timem:s6], [sflag:s22] =	dma.local [hbm:s4], s20  }
0x9e: {  	_ =	swait.ge [sflag:s22], s20  }
0x9f: {  	s3 =	ssub.s32 $0x0, s20;
	[sflag:s22] =	ssyncset.done $0x0  }
0xa0: {  	[sflag:s22] =	ssyncadd.s32 s3;
	_ =	sdelay $0x1  }
0xa1: {  	s23 =	simm.s32 $0x1B8B  }
0xa2: {  	_ =	swait.ge [sflag:s23], $0x1  }
0xa3: {  	[sflag:s23] =	ssyncset.done $0x0  }
0xa4: {  	s25 =	simm.s32 $0x1B8E;
	s24 =	sld [smem:$0x3FFE];
	[sflag:s23] =	ssyncadd.s32 $0xFFFFFFFF  }
0xa5: {  	s26 =	simm.s32 $execute0_lowered;
	[smem:$0x3FD2] =	sst s25  }
0xa6: {  	s4 =	sshll.u32 s26, $0x1;
	_ =	strace $0x80000046;
	[dreg:$0x1] =	wrdreg $0xFFFFFFFF  }
0xa7: {  	s28 =	simm.s32 $_size_execute0_lowered;
	s2 =	sadd.s32 s2, s4;
	[dreg:$0x0] =	wrdreg $0x0  }
0xa8: {  	s4 =	sshll.u32 s28, $0x1;
	[dreg:$0x2] =	wrdreg s2  }
0xa9: {  	[dreg:$0x3] =	wrdreg s4  }
0xaa: {  	[dreg:$0x4] =	wrdreg $0xC0  }
0xab: {  	_ =	task [dreg:s6], $0x5FFFF  }
0xac: {  	[dreg:$0x1] =	wrdreg $0xFFFFFFFF  }
0xad: {  	[dreg:$0x0] =	wrdreg $0x60  }
0xae: {  	[dreg:$0x2] =	wrdreg s24  }
0xaf: {  	[dreg:$0x3] =	wrdreg $0x9  }
0xb0: {  	_ =	task.clear_ibuf [dreg:s6], $0x4FFFF;
	_ =	strace $0x90000046  }
0xb1: {  	s29 =	simm.s32 $0x9;
	_ =	strace $0x80000048  }
0xb2: {  	_ =	swait.ge [sflag:s29], $0x1  }
0xb3: {  	[sflag:s29] =	ssyncadd.s32 $0xFFFFFFFF  }
0xb4: {  	_ =	strace $0x90000048  }
0xb5: {  	_ =	sfence  }
0xb6: {  	s30 =	sld [smem:$0x0];
	_ =	sdelay $0x2  }
0xb7: {  	s31 =	sshll.u32 s1, $0xD;
	s1 =	sshrl.u32 s1, $0x2  }
0xb8: {  	s3 =	sand.u32 $0x4000, s31;
	s1 =	sadd.s32 s1, s30  }
0xb9: {  	s0 =	sor.u32 s3, s0;
	s1 =	sshll.u32 s1, $0x11  }
0xba: {  	s0 =	sor.u32 s1, s0  }
0xbb: {  	s0 =	sadd.s32 $0x8F2B, s0  }
0xbc: {  	[sflag:s0] =	ssyncadd.remote.s32 $0x1  }
0xbd: {  	_ =	sfence.sel $0xFFFF  }
0xbe: {  	[dreg:$0x0] =	wrdreg $0xFFFFFFFF;
	(pc) =	sbr.abs _section_cstart, $3  }
0xbf: {  	[dreg:$0x1] =	wrdreg $0xFFFFFFFF  }
0xc0: {  	_ =	task.clear_ibuf [dreg:s6], $0x2FFFF;
	_ =	strace $0x9FFFFFFF  }
0xc1: {  	(tm) =	ssettm $0x7FFFFFFF  }
tec
execute0_lowered:
.L_overlay_start_1:
0x0: {  	(tag) =	ssettag $0x1  }
0x1: {  	s0 =	rddreg [dreg:$0x0]  }
0x2: {  	s1 =	srdreg.scid;
	s13 =	stileid.u32  }
0x3: {  	s2 =	simm.s32 $0x0;
	s14 =	simm.s32 $0x7;
	s15 =	simm.s32 $0x600  }
0x4: {  	s16 =	simm.s32 $0x400;
	s17 =	simm.s32 $0x8;
	s18 =	simm.s32 $0x8600  }
0x5: {  	s19 =	simm.s32 $0x1;
	s20 =	simm.s32 $0x4;
	s26 =	smul.u32 $0x1900, s13  }
0x6: {  	s21 =	simm.s32 $0x9;
	s28 =	simm.s32 $0x0;
	s10 =	smul.u32 $0x64, s13  }
0x7: {  	s1 =	sand.u32 $0x1, s1;
	s3 =	sshll.u32 s13, $0x1;
	s31 =	smul.u32 $0x64000, s13  }
0x8: {  	[smem:$0x7FF] =	sst s2;
	s5 =	sadd.s32 $0x800, s0;
	s11 =	smul.u32 $0x32, s1  }
0x9: {  	s13 =	simm.s32 $0x200;
	s4 =	sor.u32 s1, s3;
	s12 =	smul.u32 $0xC80, s1  }
0xa: {  	_ =	strace $0x80000047;
	s8 =	ssub.s32 $0x2, s1;
	s1 =	smul.u32 $0x32000, s1  }
0xb: {  	s3 =	sadd.s32 $0x19800, s0;
	s0 =	sadd.s32 $0xDCE00, s0;
	s6 =	smul.u32 $0x6400, s4  }
0xc: {  	s7 =	sshll.u32 s4, $0xA;
	s9 =	sshrl.u32 s8, $0x1;
	s22 =	smul.u32 $0x190000, s4  }
0xd: {  	s23 =	sshll.u32 s4, $0x10;
	s7 =	sand.u32 $0xC00, s7;
	s8 =	ssub.s32 s8, s9  }
0xe: {  	s9 =	sand.u32 $0x30000, s23;
	s10 =	sadd.s32 s11, s10;
	s23 =	simm.s32 $0x2  }
0xf: {  	s6 =	sand.u32 $0xFF000, s6;
	s25 =	sand.u32 $0x3FC0000, s22;
	s8 =	smax.u32 s8, $0x1  }
0x10: {  	s10 =	sshll.u32 s10, $0xC;
	s6 =	sor.u32 s7, s6;
	s7 =	sshrl.u32 s22, $0x3  }
0x11: {  	s10 =	sadd.s32 s10, s0;
	s22 =	simm.s32 $0x10600;
	s6 =	sshrl.u32 s6, $0x3  }
0x12: {  	s7 =	sadd.s32 s0, s7;
	s11 =	sadd.s32 $0x1000, s10;
	s24 =	sadd.s32 s5, s6  }
0x13: {  	s6 =	sor.u32 s9, s25;
	s30 =	sadd.s32 $0x31000, s7;
	s5 =	sadd.s32 s26, s5  }
0x14: {  	s25 =	simm.s32 $0x3;
	s26 =	simm.s32 $0x6;
	[dreg:$0x2] =	wrdreg s24  }
0x15: {  	s4 =	sadd.s32 $0x40, s24;
	s6 =	sadd.s32 $0x180000, s6;
	[dreg:$0x5] =	wrdreg s30  }
0x16: {  	s9 =	sadd.s32 s12, s5;
	s5 =	sadd.s32 $0x2000, s10;
	s6 =	sshrl.u32 s6, $0x3  }
0x17: {  	[dreg:$0x3] =	wrdreg s4;
	s29 =	sadd.s32 s0, s6;
	s0 =	sadd.s32 s31, s0  }
0x18: {  	s24 =	simm.s32 $0x5;
	[dreg:$0x4] =	wrdreg s29;
	s12 =	sadd.s32 s1, s0  }
.LBB2_1:
0x19: {  	s0 =	rddreg [dreg:$0x2]  }
0x1a: {  	[tilespmem:s2], [sflag:$0x7] =	stream.linear.gather [hbm4b:s0+s2], $0x200, $0x38;
	[tilespmem:$0x18600] =	vst v63  }
0x1b: {  	s4 =	rddreg [dreg:$0x3]  }
0x1c: {  	[tilespmem:s13], [sflag:$0x8] =	stream.linear.gather [hbm4b:s4+s2], $0x200, $0x38;
	[tilespmem:$0x18600] =	vst v63  }
0x1d: {  	_ =	swait.ge [sflag:s14], $0x200  }
0x1e: {  	p0 =	por $0x1, $0x1;
	[sflag:s14] =	ssyncset.done $0x0  }
0x1f: {  	s0 =	simm.s32 @!p0 $0x6;
	[sflag:s14] =	ssyncadd.s32 $0xFFFFFE00  }
0x20: {  	[tilespmem:s15], [sflag:$0x1] =	stream.indirect.gather [hbm4b:s3+s13], $0x40, s2, s13, $0xb8;
	[tilespmem:$0x18600] =	vst v63  }
0x21: {  	_ =	swait.ge @!p0 [sflag:s0], $0x8000  }
0x22: {  	s1 =	sadd.s32 $0x0, s9;
	[sflag:s0] =	ssyncset.done @!p0 $0x0  }
0x23: {  	s6 =	sadd.s32 $0x80, s1;
	[sflag:s0] =	ssyncadd.s32 @!p0 $0xFFFF8000  }
0x24: {  	[tilespmem:s16], [sflag:$0x9] =	stream.linear.gather [hbm4b:s6+s2], $0x200, $0x38;
	[tilespmem:$0x18600] =	vst v63  }
0x25: {  	_ =	swait.ge [sflag:s17], $0x200  }
0x26: {  	[sflag:s17] =	ssyncset.done $0x0  }
0x27: {  	[sflag:s17] =	ssyncadd.s32 $0xFFFFFE00  }
0x28: {  	[tilespmem:s18], [sflag:$0x2] =	stream.indirect.gather [hbm4b:s3+s13], $0x40, s13, s13, $0xb8;
	[tilespmem:$0x18600] =	vst v63  }
0x29: {  	_ =	swait.ge [sflag:s19], $0x8000  }
0x2a: {  	[sflag:s19] =	ssyncset.done $0x0  }
0x2b: {  	[sflag:s19] =	ssyncadd.s32 $0xFFFF8000  }
0x2c: {  	[hbm4b:s12+s2] =	stream.linear.scatter [tilespmem:s15], [sflag:$0x4], $0x8000, $0x38;
	[tilespmem:$0x18600] =	vst v63  }
0x2d: {  	_ =	swait.ge [sflag:s20], $0x8000  }
0x2e: {  	[sflag:s20] =	ssyncset.done $0x0  }
0x2f: {  	s7 =	sadd.s32 $0xC0, s1;
	[sflag:s20] =	ssyncadd.s32 $0xFFFF8000  }
0x30: {  	[tilespmem:s2], [sflag:$0x7] =	stream.linear.gather [hbm4b:s7+s2], $0x200, $0x38;
	[tilespmem:$0x18600] =	vst v63  }
0x31: {  	_ =	swait.ge [sflag:s21], $0x200  }
0x32: {  	[sflag:s21] =	ssyncset.done $0x0  }
0x33: {  	[sflag:s21] =	ssyncadd.s32 $0xFFFFFE00  }
0x34: {  	[tilespmem:s22], [sflag:$0x3] =	stream.indirect.gather [hbm4b:s3+s13], $0x40, s16, s13, $0xb8;
	[tilespmem:$0x18600] =	vst v63  }
0x35: {  	_ =	swait.ge [sflag:s23], $0x8000  }
0x36: {  	[sflag:s23] =	ssyncset.done $0x0  }
0x37: {  	[sflag:s23] =	ssyncadd.s32 $0xFFFF8000  }
0x38: {  	[hbm4b:s11+s2] =	stream.linear.scatter [tilespmem:s18], [sflag:$0x5], $0x8000, $0x38;
	[tilespmem:$0x18600] =	vst v63  }
0x39: {  	_ =	swait.ge [sflag:s24], $0x8000  }
0x3a: {  	[sflag:s24] =	ssyncset.done $0x0  }
0x3b: {  	s10 =	sadd.s32 $0x100, s1;
	[sflag:s24] =	ssyncadd.s32 $0xFFFF8000  }
0x3c: {  	[tilespmem:s13], [sflag:$0x8] =	stream.linear.gather [hbm4b:s10+s2], $0x200, $0x38;
	[tilespmem:$0x18600] =	vst v63  }
0x3d: {  	_ =	swait.ge [sflag:s14], $0x200  }
0x3e: {  	s30 =	sadd.s32 $0x3000, s11;
	[sflag:s14] =	ssyncset.done $0x0  }
0x3f: {  	s31 =	sadd.s32 $0x3000, s12;
	p1 =	por $0x0, $0x0;
	[sflag:s14] =	ssyncadd.s32 $0xFFFFFE00  }
0x40: {  	[tilespmem:s15], [sflag:$0x1] =	stream.indirect.gather [hbm4b:s3+s13], $0x40, s2, s13, $0xb8;
	[tilespmem:$0x18600] =	vst v63  }
0x41: {  	s29 =	sadd.s32 $0x3000, s5;
	s1 =	simm.s32 $0x180;
	_ =	swait.ge [sflag:s25], $0x8000  }
0x42: {  	s0 =	simm.s32 $0xC0;
	s10 =	smov.u32 s5;
	[sflag:s25] =	ssyncset.done $0x0  }
.LBB2_2:
0x43: {  	s4 =	simm.s32 @!p1 $0x6  }
0x44: {  	[sflag:s25] =	ssyncadd.s32 $0xFFFF8000;
	s6 =	smov.u32 s1;
	s1 =	sadd.s32 $0xC0, s1  }
0x45: {  	[hbm4b:s10+s2] =	stream.linear.scatter [tilespmem:s22], [sflag:$0x6], $0x8000, $0x38;
	[tilespmem:$0x18600] =	vst v63  }
0x46: {  	p0 =	sne.s32 s1, $0xC00;
	s10 =	smov.u32 s29;
	_ =	swait.ge @!p1 [sflag:s4], $0x8000  }
0x47: {  	s7 =	sadd.s32 s0, s9;
	s0 =	smov.u32 s6;
	[sflag:s4] =	ssyncset.done @!p1 $0x0  }
0x48: {  	[sflag:s4] =	ssyncadd.s32 @!p1 $0xFFFF8000;
	s4 =	sadd.s32 $0x80, s7  }
0x49: {  	[tilespmem:s16], [sflag:$0x9] =	stream.linear.gather [hbm4b:s4+s2], $0x200, $0x38;
	[tilespmem:$0x18600] =	vst v63  }
0x4a: {  	_ =	swait.ge [sflag:s17], $0x200  }
0x4b: {  	[sflag:s17] =	ssyncset.done $0x0  }
0x4c: {  	[sflag:s17] =	ssyncadd.s32 $0xFFFFFE00  }
0x4d: {  	[tilespmem:s18], [sflag:$0x2] =	stream.indirect.gather [hbm4b:s3+s13], $0x40, s13, s13, $0xb8;
	[tilespmem:$0x18600] =	vst v63  }
0x4e: {  	_ =	swait.ge [sflag:s19], $0x8000  }
0x4f: {  	[sflag:s19] =	ssyncset.done $0x0  }
0x50: {  	[sflag:s19] =	ssyncadd.s32 $0xFFFF8000  }
0x51: {  	[hbm4b:s31+s2] =	stream.linear.scatter [tilespmem:s15], [sflag:$0x4], $0x8000, $0x38;
	[tilespmem:$0x18600] =	vst v63  }
0x52: {  	_ =	swait.ge [sflag:s20], $0x8000  }
0x53: {  	[sflag:s20] =	ssyncset.done $0x0  }
0x54: {  	s4 =	sadd.s32 $0xC0, s7;
	[sflag:s20] =	ssyncadd.s32 $0xFFFF8000  }
0x55: {  	[tilespmem:s2], [sflag:$0x7] =	stream.linear.gather [hbm4b:s4+s2], $0x200, $0x38;
	[tilespmem:$0x18600] =	vst v63  }
0x56: {  	_ =	swait.ge [sflag:s21], $0x200  }
0x57: {  	[sflag:s21] =	ssyncset.done $0x0  }
0x58: {  	[sflag:s21] =	ssyncadd.s32 $0xFFFFFE00  }
0x59: {  	[tilespmem:s22], [sflag:$0x3] =	stream.indirect.gather [hbm4b:s3+s13], $0x40, s16, s13, $0xb8;
	[tilespmem:$0x18600] =	vst v63  }
0x5a: {  	_ =	swait.ge [sflag:s23], $0x8000  }
0x5b: {  	[sflag:s23] =	ssyncset.done $0x0  }
0x5c: {  	[sflag:s23] =	ssyncadd.s32 $0xFFFF8000  }
0x5d: {  	[hbm4b:s30+s2] =	stream.linear.scatter [tilespmem:s18], [sflag:$0x5], $0x8000, $0x38;
	[tilespmem:$0x18600] =	vst v63  }
0x5e: {  	_ =	swait.ge [sflag:s24], $0x8000  }
0x5f: {  	[sflag:s24] =	ssyncset.done $0x0  }
0x60: {  	s4 =	sadd.s32 $0x100, s7;
	[sflag:s24] =	ssyncadd.s32 $0xFFFF8000  }
0x61: {  	[tilespmem:s13], [sflag:$0x8] =	stream.linear.gather [hbm4b:s4+s2], $0x200, $0x38;
	[tilespmem:$0x18600] =	vst v63  }
0x62: {  	_ =	swait.ge [sflag:s14], $0x200  }
.Ltmp0:
0x63: {  	[sflag:s14] =	ssyncset.done $0x0;
	(pc) =	sbr.rel @p0 .LBB2_2-.Ltmp0, $4  }
0x64: {  	[sflag:s14] =	ssyncadd.s32 $0xFFFFFE00  }
0x65: {  	[tilespmem:s15], [sflag:$0x1] =	stream.indirect.gather [hbm4b:s3+s13], $0x40, s2, s13, $0xb8;
	[tilespmem:$0x18600] =	vst v63  }
0x66: {  	s31 =	sadd.s32 $0x3000, s31;
	s30 =	sadd.s32 $0x3000, s30;
	_ =	swait.ge [sflag:s25], $0x8000  }
0x67: {  	s29 =	sadd.s32 $0x3000, s29;
	p1 =	seq.s32 s0, $0x0;
	[sflag:s25] =	ssyncset.done $0x0  }
0x68: {  	[sflag:s25] =	ssyncadd.s32 $0xFFFF8000;
	s1 =	simm.s32 @!p1 $0x6  }
0x69: {  	[hbm4b:s10+s2] =	stream.linear.scatter [tilespmem:s22], [sflag:$0x6], $0x8000, $0x38;
	[tilespmem:$0x18600] =	vst v63  }
0x6a: {  	_ =	swait.ge @!p1 [sflag:s1], $0x8000  }
0x6b: {  	s0 =	sadd.s32 s0, s9;
	[sflag:s1] =	ssyncset.done @!p1 $0x0  }
0x6c: {  	s7 =	sadd.s32 $0x80, s0;
	[sflag:s1] =	ssyncadd.s32 @!p1 $0xFFFF8000  }
0x6d: {  	[tilespmem:s16], [sflag:$0x9] =	stream.linear.gather [hbm4b:s7+s2], $0x200, $0x38;
	[tilespmem:$0x18600] =	vst v63  }
0x6e: {  	_ =	swait.ge [sflag:s17], $0x200  }
0x6f: {  	[sflag:s17] =	ssyncset.done $0x0  }
0x70: {  	[sflag:s17] =	ssyncadd.s32 $0xFFFFFE00  }
0x71: {  	[tilespmem:s18], [sflag:$0x2] =	stream.indirect.gather [hbm4b:s3+s13], $0x40, s13, s13, $0xb8;
	[tilespmem:$0x18600] =	vst v63  }
0x72: {  	_ =	swait.ge [sflag:s19], $0x8000  }
0x73: {  	[sflag:s19] =	ssyncset.done $0x0  }
0x74: {  	[sflag:s19] =	ssyncadd.s32 $0xFFFF8000  }
0x75: {  	[hbm4b:s31+s2] =	stream.linear.scatter [tilespmem:s15], [sflag:$0x4], $0x8000, $0x38;
	[tilespmem:$0x18600] =	vst v63  }
0x76: {  	_ =	swait.ge [sflag:s20], $0x8000  }
0x77: {  	[sflag:s20] =	ssyncset.done $0x0  }
0x78: {  	s10 =	sadd.s32 $0xC0, s0;
	[sflag:s20] =	ssyncadd.s32 $0xFFFF8000  }
0x79: {  	[tilespmem:s2], [sflag:$0x7] =	stream.linear.gather [hbm4b:s10+s2], $0x200, $0x38;
	[tilespmem:$0x18600] =	vst v63  }
0x7a: {  	_ =	swait.ge [sflag:s21], $0x200  }
0x7b: {  	[sflag:s21] =	ssyncset.done $0x0  }
0x7c: {  	[sflag:s21] =	ssyncadd.s32 $0xFFFFFE00  }
0x7d: {  	[tilespmem:s22], [sflag:$0x3] =	stream.indirect.gather [hbm4b:s3+s13], $0x40, s16, s13, $0xb8;
	[tilespmem:$0x18600] =	vst v63  }
0x7e: {  	_ =	swait.ge [sflag:s23], $0x8000  }
0x7f: {  	[sflag:s23] =	ssyncset.done $0x0  }
0x80: {  	[sflag:s23] =	ssyncadd.s32 $0xFFFF8000  }
0x81: {  	[hbm4b:s30+s2] =	stream.linear.scatter [tilespmem:s18], [sflag:$0x5], $0x8000, $0x38;
	[tilespmem:$0x18600] =	vst v63  }
0x82: {  	_ =	swait.ge [sflag:s24], $0x8000  }
0x83: {  	[sflag:s24] =	ssyncset.done $0x0  }
0x84: {  	s0 =	sadd.s32 $0x100, s0;
	[sflag:s24] =	ssyncadd.s32 $0xFFFF8000  }
0x85: {  	[tilespmem:s13], [sflag:$0x8] =	stream.linear.gather [hbm4b:s0+s2], $0x200, $0x38;
	[tilespmem:$0x18600] =	vst v63  }
0x86: {  	_ =	swait.ge [sflag:s14], $0x200  }
0x87: {  	[sflag:s14] =	ssyncset.done $0x0  }
0x88: {  	[sflag:s14] =	ssyncadd.s32 $0xFFFFFE00  }
0x89: {  	[tilespmem:s15], [sflag:$0x1] =	stream.indirect.gather [hbm4b:s3+s13], $0x40, s2, s13, $0xb8;
	[tilespmem:$0x18600] =	vst v63  }
0x8a: {  	_ =	swait.ge [sflag:s25], $0x8000  }
0x8b: {  	[sflag:s25] =	ssyncset.done $0x0  }
0x8c: {  	[sflag:s25] =	ssyncadd.s32 $0xFFFF8000  }
0x8d: {  	[hbm4b:s29+s2] =	stream.linear.scatter [tilespmem:s22], [sflag:$0x6], $0x8000, $0x38;
	[tilespmem:$0x18600] =	vst v63  }
0x8e: {  	_ =	swait.ge [sflag:s17], $0x200  }
0x8f: {  	[sflag:s17] =	ssyncset.done $0x0  }
0x90: {  	[sflag:s17] =	ssyncadd.s32 $0xFFFFFE00  }
0x91: {  	[tilespmem:s18], [sflag:$0x2] =	stream.indirect.gather [hbm4b:s3+s13], $0x40, s13, s13, $0xb8;
	[tilespmem:$0x18600] =	vst v63  }
0x92: {  	_ =	swait.ge [sflag:s19], $0x8000  }
0x93: {  	[sflag:s19] =	ssyncset.done $0x0  }
0x94: {  	s30 =	rddreg [dreg:$0x4];
	[sflag:s19] =	ssyncadd.s32 $0xFFFF8000  }
0x95: {  	[hbm4b:s30+s2] =	stream.linear.scatter [tilespmem:s15], [sflag:$0x4], $0x8000, $0x38;
	[tilespmem:$0x18600] =	vst v63  }
0x96: {  	_ =	swait.ge [sflag:s23], $0x8000  }
0x97: {  	[sflag:s23] =	ssyncset.done $0x0  }
0x98: {  	s31 =	rddreg [dreg:$0x5];
	[sflag:s23] =	ssyncadd.s32 $0xFFFF8000  }
0x99: {  	[hbm4b:s31+s2] =	stream.linear.scatter [tilespmem:s18], [sflag:$0x5], $0x8000, $0x38;
	[tilespmem:$0x18600] =	vst v63  }
0x9a: {  	_ =	swait.ge [sflag:s20], $0x8000  }
0x9b: {  	[sflag:s20] =	ssyncset.done $0x0  }
0x9c: {  	s28 =	sadd.s32 $0x1, s28;
	[sflag:s20] =	ssyncadd.s32 $0xFFFF8000  }
0x9d: {  	p0 =	sne.s32 s28, s8;
	_ =	swait.ge [sflag:s24], $0x8000  }
.Ltmp1:
0x9e: {  	[sflag:s24] =	ssyncset.done $0x0;
	(pc) =	sbr.rel @p0 .LBB2_1-.Ltmp1, $4  }
0x9f: {  	[sflag:s24] =	ssyncadd.s32 $0xFFFF8000  }
0xa0: {  	_ =	swait.ge [sflag:s26], $0x8000  }
0xa1: {  	[sflag:s26] =	ssyncset.done $0x0  }
0xa2: {  	[sflag:s26] =	ssyncadd.s32 $0xFFFF8000  }
0xa3: {  	_ =	sfence.sel $0x180000  }
0xa4: {  	[bflag:$0x0] =	sbarrier.arrive $0xFFFF  }
0xa5: {  	_ =	strace $0x90000047  }
0xa6: {  	s0 =	stileid.u32;
	[bflag:$0x2] =	sbarrier.arrive $0xFFFF  }
0xa7: {  	p0 =	sne.s32 s0, $0x0;
	s0 =	rddreg [dreg:$0x1]  }
0xa8: {  	s0 =	sadd.s32 @!p0 $0x100000, s0  }
0xa9: {  	[sflag:s0] =	ssyncadd.tile.s32 @!p0 $0x1;
	_ =	shalt  }
.Lfunc_end2:
_tile_overlayer_lowered:
.L_overlay_start_2:
0xaa: {  	(tag) =	ssettag $0x2  }
0xab: {  	s0 =	rddreg [dreg:$0x0];
	s2 =	stileid.u32  }
0xac: {  	s1 =	rddreg [dreg:$0x1];
	p0 =	sne.s32 s2, $0x0  }
0xad: {  	s3 =	rddreg [dreg:$0x2];
	[bflag:$0x3] =	sbarrier.arrive $0xFFFF;
	s2 =	simm.s32 @!p0 $0x1C0A  }
0xae: {  	[timem:s3], [sflag:s2] =	dma.local @!p0 [hbm:s0], s1  }
0xaf: {  	s0 =	simm.s32 @!p0 $0xA  }
0xb0: {  	_ =	swait.ge @!p0 [sflag:s0], s1  }
0xb1: {  	s1 =	ssub.s32 @!p0 $0x0, s1;
	[sflag:s0] =	ssyncset.done @!p0 $0x0  }
0xb2: {  	[sflag:s0] =	ssyncadd.s32 @!p0 s1  }
0xb3: {  	[bflag:$0x3] =	sbarrier.arrive $0xFFFF  }
0xb4: {  	_ =	shalt  }

</sc_bundles>
